<compile_context>
chip_gen: v7x
topology: tpu7x:2x2x1
jax: 0.10.2.dev20260603
libtpu: 0.0.44.dev20260713+nightly
codegen_flags: <defaults>
</compile_context>

<pallas_src>
import functools

import jax
import jax.numpy as jnp
from jax import lax
from jax.experimental import pallas as pl
from jax.experimental.pallas import tpu as pltpu
from jax.experimental.pallas import tpu_sc as plsc

D_MODEL = 128
NUM_CORES = 2
NUM_SUBCORES = 16
NUM_WORKERS = NUM_CORES * NUM_SUBCORES

IDX_ROW = 128
K = 1
NBUF = 3


def _make_gather(n_rows: int):
    rows_per_w = n_rows // NUM_WORKERS
    n_chunks = rows_per_w // K
    assert n_chunks > 2 * NBUF
    mesh = plsc.VectorSubcoreMesh(
        core_axis_name="c", subcore_axis_name="s", num_cores=NUM_CORES
    )

    @functools.partial(
        pl.kernel,
        out_type=jax.ShapeDtypeStruct((n_rows, IDX_ROW, D_MODEL), jnp.float32),
        mesh=mesh,
        scratch_types=[
            pltpu.VMEM((NBUF, K, IDX_ROW), jnp.int32),
            pltpu.VMEM((NBUF, K, IDX_ROW, D_MODEL), jnp.float32),
            pltpu.VMEM_SHARED((8192, D_MODEL), jnp.float32),
            pltpu.SemaphoreType.DMA,
            pltpu.SemaphoreType.DMA,
            pltpu.SemaphoreType.DMA,
        ],
    )
    def gather_kernel(idx_hbm, pe_hbm, out_hbm, idx_v, rows_v, pe_sh, isem, gsem, osem):
        sid = lax.axis_index("s")
        @pl.when(sid == 0)
        def _stage():
            pltpu.sync_copy(pe_hbm, pe_sh)

        plsc.subcore_barrier()
        wid = lax.axis_index("s") * NUM_CORES + lax.axis_index("c")
        base = wid * rows_per_w
        last_row = n_rows - K

        def fire_idx(g, b):
            r = jnp.minimum(base + g * K, last_row)
            pltpu.async_copy(idx_hbm.at[pl.ds(r, K)], idx_v.at[b], isem)

        def wait_idx(b):
            pltpu.make_async_copy(
                idx_hbm.at[pl.ds(0, K)], idx_v.at[b], isem
            ).wait()

        def wait_out(b):
            pltpu.make_async_copy(
                rows_v.at[b], out_hbm.at[pl.ds(0, K)], osem
            ).wait()

        def fire_gathers(b):
            for j in range(K):
                pltpu.async_copy(pe_sh.at[idx_v.at[b, j]], rows_v.at[b, j], gsem)

        def drain_gathers(b):
            for j in range(K):
                pltpu.make_async_copy(
                    pe_sh.at[idx_v.at[b, j]], rows_v.at[b, j], gsem
                ).wait()

        def fire_out(g, b):
            pltpu.async_copy(rows_v.at[b], out_hbm.at[pl.ds(base + g * K, K)], osem)

        def step(g, b, f, first_out, fire_ahead):
            drain_gathers(b)
            fire_out(g, b)
            fire_idx(g + NBUF, b)
            if fire_ahead:
                wait_idx(f)
                if not first_out:
                    wait_out(f)
                fire_gathers(f)

        for b in range(NBUF):
            fire_idx(b, b)
        for b in range(2):
            wait_idx(b)
            fire_gathers(b)
        step(0, 0, 2, first_out=True, fire_ahead=True)

        def ring(g, carry):
            b = lax.rem(g, NBUF)
            f = lax.rem(g + 2, NBUF)
            step(g, b, f, first_out=False, fire_ahead=True)
            return carry

        lax.fori_loop(1, n_chunks - 2, ring, 0)
        for g in range(n_chunks - 2, n_chunks):
            step(g, g % NBUF, (g + 2) % NBUF, first_out=False, fire_ahead=False)

        for b in range(NBUF):
            wait_out(b)
            wait_idx(b)

    return gather_kernel


def kernel(edge_type, pe):
    batch, hist = edge_type.shape
    total = batch * hist
    n_rows = total // IDX_ROW
    idx2d = edge_type.reshape(n_rows, IDX_ROW)
    out = _make_gather(n_rows)(idx2d, pe)
    return out.reshape(batch, hist, D_MODEL)

# --- scband reference (transcript-rebuilt; emitter-appended) ---
"""Pipeline reference for scband-positional-encoding-sine-cosine-25769804018 (READ-ONLY COPY).

The authoritative reference and input builder live on the scoring server;
editing this copy changes nothing except your own understanding.
"""

import jax, jax.numpy as jnp
import numpy as np

D_MODEL = 128
MAX_LEN = 8192
BATCH = 16384
HIST = 200

def _make_pe(d_model=D_MODEL, max_len=MAX_LEN):
    position = np.arange(0, max_len, dtype=np.float32)[:, None]
    div_term = np.exp(np.arange(0, d_model, 2).astype(np.float32) * (-np.log(10000.0) / d_model))
    pe = np.zeros((max_len, d_model), dtype=np.float32)
    pe[:, 0::2] = np.sin(position * div_term)
    pe[:, 1::2] = np.cos(position * div_term)
    return jnp.asarray(pe)

def setup_inputs(seed: int = 0) -> dict:
    key = jax.random.key(seed)
    edge_type = jax.random.randint(key, (BATCH, HIST), 0, MAX_LEN, dtype=jnp.int32)
    pe = _make_pe()
    return {"edge_type": edge_type, "pe": pe}

def reference(edge_type, pe):
    # Faithful translation of self.pe[edge_type]: row gather from the
    # precomputed sine/cosine positional-encoding table.
    return jnp.take(pe, edge_type, axis=0)

if __name__ == "__main__":
    import jax
    _d = setup_inputs()
    print(jax.jit(kernel)(*tuple(_d.values())))

</pallas_src>

<mosaic_0001>
#map = affine_map<(d0, d1) -> (0, 0)>
#map1 = affine_map<(d0, d1) -> (0, 0, 0)>
module attributes {stable_mosaic.version = 14 : i64} {
  func.func @gather_kernel(%arg0: i32, %arg1: i32, %arg2: memref<25600x128xi32, #tpu.memory_space<hbm>>, %arg3: memref<8192x128xf32, #tpu.memory_space<hbm>>, %arg4: memref<25600x128x128xf32, #tpu.memory_space<hbm>>, %arg5: memref<3x1x128xi32, #tpu.memory_space<vmem>>, %arg6: memref<3x1x128x128xf32, #tpu.memory_space<vmem>>, %arg7: memref<8192x128xf32, #tpu.memory_space<vmem_shared>>, %arg8: memref<!tpu.dma_semaphore, #tpu.memory_space<semaphore_mem>>, %arg9: memref<!tpu.dma_semaphore, #tpu.memory_space<semaphore_mem>>, %arg10: memref<!tpu.dma_semaphore, #tpu.memory_space<semaphore_mem>>) attributes {dimension_semantics = [#tpu.dimension_semantics<core_parallel>, #tpu.dimension_semantics<subcore_parallel>], iteration_bounds = array<i64: 2, 16>, scalar_prefetch = 0 : i64, scratch_operands = 6 : i64, tpu.core_type = #tpu.core_type<sc_vector_subcore>, window_params = [{transform_indices = #map}, {transform_indices = #map}, {transform_indices = #map1}]} {
    %eq3A = arith.constant 0 : i32
    %eq3A_0 = arith.cmpi eq, %arg1, %eq3A : i32
    %convert_element_type3A = arith.extui %eq3A_0 : i1 to i32
    %cond3A = arith.constant 0 : i32
    %cond3A_1 = arith.cmpi ne, %convert_element_type3A, %cond3A : i32
    scf.if %cond3A_1 {
      "tpu.region"() ({
        %run_scoped3A = tpu.sem_alloc : memref<!tpu.dma_semaphore, #tpu.memory_space<semaphore_mem>>
        tpu.enqueue_dma source(%arg3 : memref<8192x128xf32, #tpu.memory_space<hbm>>) target(%arg7 : memref<8192x128xf32, #tpu.memory_space<vmem_shared>>) target_semaphore(%run_scoped3A : memref<!tpu.dma_semaphore, #tpu.memory_space<semaphore_mem>>)
        tpu.wait_dma2 semaphore(%run_scoped3A : memref<!tpu.dma_semaphore, #tpu.memory_space<semaphore_mem>>) src(%arg3 : memref<8192x128xf32, #tpu.memory_space<hbm>>) dst(%arg7 : memref<8192x128xf32, #tpu.memory_space<vmem_shared>>)
        tpu.yield
      }) : () -> ()
    } else {
    }
    %barrier3A = arith.constant 0 : index
    tpu.barrier barrier_id(%barrier3A)
    %mul3A = arith.constant 2 : i32
    %mul3A_2 = arith.muli %arg1, %mul3A : i32
    %add3A = arith.addi %mul3A_2, %arg0 : i32
    %mul3A_3 = arith.constant 800 : i32
    %mul3A_4 = arith.muli %add3A, %mul3A_3 : i32
    %add3A_5 = arith.constant 0 : i32
    %add3A_6 = arith.addi %mul3A_4, %add3A_5 : i32
    %min3A = arith.constant 25599 : i32
    %min3A_7 = arith.minsi %add3A_6, %min3A : i32
    %dma_start3A = arith.constant 0 : i32
    %dma_start3A_8 = arith.constant 0 : i32
    %dma_start3A_9 = arith.constant 0 : i32
    %dma_start3A_10 = tpu.memref_slice %arg5[%dma_start3A, %dma_start3A_8, %dma_start3A_9] : memref<3x1x128xi32, #tpu.memory_space<vmem>> -> memref<1x1x128xi32, #tpu.memory_space<vmem>>
    %dma_start3A_11 = tpu.memref_squeeze %dma_start3A_10 : memref<1x1x128xi32, #tpu.memory_space<vmem>> -> memref<1x128xi32, #tpu.memory_space<vmem>>
    %dma_start3A_12 = arith.constant 0 : i32
    %dma_start3A_13 = tpu.memref_slice %arg2[%min3A_7, %dma_start3A_12] : memref<25600x128xi32, #tpu.memory_space<hbm>> -> memref<1x128xi32, #tpu.memory_space<hbm>>
    %dma_start3A_14 = arith.constant 0 : i32
    %dma_start3A_15 = arith.constant 0 : i32
    %dma_start3A_16 = tpu.memref_slice %arg5[%dma_start3A, %dma_start3A_14, %dma_start3A_15] : memref<3x1x128xi32, #tpu.memory_space<vmem>> -> memref<1x1x128xi32, #tpu.memory_space<vmem>>
    %dma_start3A_17 = tpu.memref_squeeze %dma_start3A_16 : memref<1x1x128xi32, #tpu.memory_space<vmem>> -> memref<1x128xi32, #tpu.memory_space<vmem>>
    %dma_start3A_18 = arith.constant 0 : i32
    %dma_start3A_19 = tpu.memref_slice %arg2[%min3A_7, %dma_start3A_18] : memref<25600x128xi32, #tpu.memory_space<hbm>> -> memref<1x128xi32, #tpu.memory_space<hbm>>
    tpu.enqueue_dma source(%dma_start3A_19 : memref<1x128xi32, #tpu.memory_space<hbm>>) target(%dma_start3A_17 : memref<1x128xi32, #tpu.memory_space<vmem>>) target_semaphore(%arg8 : memref<!tpu.dma_semaphore, #tpu.memory_space<semaphore_mem>>)
    %add3A_20 = arith.constant 1 : i32
    %add3A_21 = arith.addi %mul3A_4, %add3A_20 : i32
    %min3A_22 = arith.constant 25599 : i32
    %min3A_23 = arith.minsi %add3A_21, %min3A_22 : i32
    %dma_start3A_24 = arith.constant 1 : i32
    %dma_start3A_25 = arith.constant 0 : i32
    %dma_start3A_26 = arith.constant 0 : i32
    %dma_start3A_27 = tpu.memref_slice %arg5[%dma_start3A_24, %dma_start3A_25, %dma_start3A_26] : memref<3x1x128xi32, #tpu.memory_space<vmem>> -> memref<1x1x128xi32, #tpu.memory_space<vmem>>
    %dma_start3A_28 = tpu.memref_squeeze %dma_start3A_27 : memref<1x1x128xi32, #tpu.memory_space<vmem>> -> memref<1x128xi32, #tpu.memory_space<vmem>>
    %dma_start3A_29 = arith.constant 0 : i32
    %dma_start3A_30 = tpu.memref_slice %arg2[%min3A_23, %dma_start3A_29] : memref<25600x128xi32, #tpu.memory_space<hbm>> -> memref<1x128xi32, #tpu.memory_space<hbm>>
    %dma_start3A_31 = arith.constant 0 : i32
    %dma_start3A_32 = arith.constant 0 : i32
    %dma_start3A_33 = tpu.memref_slice %arg5[%dma_start3A_24, %dma_start3A_31, %dma_start3A_32] : memref<3x1x128xi32, #tpu.memory_space<vmem>> -> memref<1x1x128xi32, #tpu.memory_space<vmem>>
    %dma_start3A_34 = tpu.memref_squeeze %dma_start3A_33 : memref<1x1x128xi32, #tpu.memory_space<vmem>> -> memref<1x128xi32, #tpu.memory_space<vmem>>
    %dma_start3A_35 = arith.constant 0 : i32
    %dma_start3A_36 = tpu.memref_slice %arg2[%min3A_23, %dma_start3A_35] : memref<25600x128xi32, #tpu.memory_space<hbm>> -> memref<1x128xi32, #tpu.memory_space<hbm>>
    tpu.enqueue_dma source(%dma_start3A_36 : memref<1x128xi32, #tpu.memory_space<hbm>>) target(%dma_start3A_34 : memref<1x128xi32, #tpu.memory_space<vmem>>) target_semaphore(%arg8 : memref<!tpu.dma_semaphore, #tpu.memory_space<semaphore_mem>>)
    %add3A_37 = arith.constant 2 : i32
    %add3A_38 = arith.addi %mul3A_4, %add3A_37 : i32
    %min3A_39 = arith.constant 25599 : i32
    %min3A_40 = arith.minsi %add3A_38, %min3A_39 : i32
    %dma_start3A_41 = arith.constant 2 : i32
    %dma_start3A_42 = arith.constant 0 : i32
    %dma_start3A_43 = arith.constant 0 : i32
    %dma_start3A_44 = tpu.memref_slice %arg5[%dma_start3A_41, %dma_start3A_42, %dma_start3A_43] : memref<3x1x128xi32, #tpu.memory_space<vmem>> -> memref<1x1x128xi32, #tpu.memory_space<vmem>>
    %dma_start3A_45 = tpu.memref_squeeze %dma_start3A_44 : memref<1x1x128xi32, #tpu.memory_space<vmem>> -> memref<1x128xi32, #tpu.memory_space<vmem>>
    %dma_start3A_46 = arith.constant 0 : i32
    %dma_start3A_47 = tpu.memref_slice %arg2[%min3A_40, %dma_start3A_46] : memref<25600x128xi32, #tpu.memory_space<hbm>> -> memref<1x128xi32, #tpu.memory_space<hbm>>
    %dma_start3A_48 = arith.constant 0 : i32
    %dma_start3A_49 = arith.constant 0 : i32
    %dma_start3A_50 = tpu.memref_slice %arg5[%dma_start3A_41, %dma_start3A_48, %dma_start3A_49] : memref<3x1x128xi32, #tpu.memory_space<vmem>> -> memref<1x1x128xi32, #tpu.memory_space<vmem>>
    %dma_start3A_51 = tpu.memref_squeeze %dma_start3A_50 : memref<1x1x128xi32, #tpu.memory_space<vmem>> -> memref<1x128xi32, #tpu.memory_space<vmem>>
    %dma_start3A_52 = arith.constant 0 : i32
    %dma_start3A_53 = tpu.memref_slice %arg2[%min3A_40, %dma_start3A_52] : memref<25600x128xi32, #tpu.memory_space<hbm>> -> memref<1x128xi32, #tpu.memory_space<hbm>>
    tpu.enqueue_dma source(%dma_start3A_53 : memref<1x128xi32, #tpu.memory_space<hbm>>) target(%dma_start3A_51 : memref<1x128xi32, #tpu.memory_space<vmem>>) target_semaphore(%arg8 : memref<!tpu.dma_semaphore, #tpu.memory_space<semaphore_mem>>)
    %dma_wait3A = arith.constant 0 : i32
    %dma_wait3A_54 = arith.constant 0 : i32
    %dma_wait3A_55 = arith.constant 0 : i32
    %dma_wait3A_56 = tpu.memref_slice %arg5[%dma_wait3A, %dma_wait3A_54, %dma_wait3A_55] : memref<3x1x128xi32, #tpu.memory_space<vmem>> -> memref<1x1x128xi32, #tpu.memory_space<vmem>>
    %dma_wait3A_57 = tpu.memref_squeeze %dma_wait3A_56 : memref<1x1x128xi32, #tpu.memory_space<vmem>> -> memref<1x128xi32, #tpu.memory_space<vmem>>
    %dma_wait3A_58 = arith.constant 0 : i32
    %dma_wait3A_59 = arith.constant 0 : i32
    %dma_wait3A_60 = tpu.memref_slice %arg2[%dma_wait3A_58, %dma_wait3A_59] : memref<25600x128xi32, #tpu.memory_space<hbm>> -> memref<1x128xi32, #tpu.memory_space<hbm>>
    %dma_wait3A_61 = arith.constant 0 : i32
    %dma_wait3A_62 = arith.constant 0 : i32
    %dma_wait3A_63 = tpu.memref_slice %arg5[%dma_wait3A, %dma_wait3A_61, %dma_wait3A_62] : memref<3x1x128xi32, #tpu.memory_space<vmem>> -> memref<1x1x128xi32, #tpu.memory_space<vmem>>
    %dma_wait3A_64 = tpu.memref_squeeze %dma_wait3A_63 : memref<1x1x128xi32, #tpu.memory_space<vmem>> -> memref<1x128xi32, #tpu.memory_space<vmem>>
    %dma_wait3A_65 = arith.constant 0 : i32
    %dma_wait3A_66 = arith.constant 0 : i32
    %dma_wait3A_67 = tpu.memref_slice %arg2[%dma_wait3A_65, %dma_wait3A_66] : memref<25600x128xi32, #tpu.memory_space<hbm>> -> memref<1x128xi32, #tpu.memory_space<hbm>>
    tpu.wait_dma2 semaphore(%arg8 : memref<!tpu.dma_semaphore, #tpu.memory_space<semaphore_mem>>) src(%dma_wait3A_67 : memref<1x128xi32, #tpu.memory_space<hbm>>) dst(%dma_wait3A_64 : memref<1x128xi32, #tpu.memory_space<vmem>>)
    %dma_start3A_68 = arith.constant 0 : i32
    %dma_start3A_69 = arith.constant 0 : i32
    %dma_start3A_70 = arith.constant 0 : i32
    %dma_start3A_71 = arith.constant 0 : i32
    %dma_start3A_72 = arith.constant 0 : i32
    %dma_start3A_73 = arith.constant 0 : i32
    %dma_start3A_74 = tpu.memref_slice %arg6[%dma_start3A_70, %dma_start3A_71, %dma_start3A_72, %dma_start3A_73] : memref<3x1x128x128xf32, #tpu.memory_space<vmem>> -> memref<1x1x128x128xf32, #tpu.memory_space<vmem>>
    %dma_start3A_75 = tpu.memref_squeeze %dma_start3A_74 : memref<1x1x128x128xf32, #tpu.memory_space<vmem>> -> memref<128x128xf32, #tpu.memory_space<vmem>>
    %dma_start3A_76 = arith.constant 0 : i32
    %dma_start3A_77 = tpu.memref_slice %arg5[%dma_start3A_68, %dma_start3A_69, %dma_start3A_76] : memref<3x1x128xi32, #tpu.memory_space<vmem>> -> memref<1x1x128xi32, #tpu.memory_space<vmem>>
    %dma_start3A_78 = tpu.memref_squeeze %dma_start3A_77 : memref<1x1x128xi32, #tpu.memory_space<vmem>> -> memref<128xi32, #tpu.memory_space<vmem>>
    %dma_start3A_79 = arith.constant 0 : i32
    %dma_start3A_80 = arith.constant 0 : i32
    %dma_start3A_81 = tpu.memref_slice %arg7[%dma_start3A_79, %dma_start3A_80] : memref<8192x128xf32, #tpu.memory_space<vmem_shared>> -> memref<8192x128xf32, #tpu.memory_space<vmem_shared>>
    tpu.enqueue_indirect_dma source(%dma_start3A_81 : memref<8192x128xf32, #tpu.memory_space<vmem_shared>>) target(%dma_start3A_75 : memref<128x128xf32, #tpu.memory_space<vmem>>) offsets(%dma_start3A_78 : memref<128xi32, #tpu.memory_space<vmem>>) semaphore(%arg9 : memref<!tpu.dma_semaphore, #tpu.memory_space<semaphore_mem>>)
    %dma_wait3A_82 = arith.constant 1 : i32
    %dma_wait3A_83 = arith.constant 0 : i32
    %dma_wait3A_84 = arith.constant 0 : i32
    %dma_wait3A_85 = tpu.memref_slice %arg5[%dma_wait3A_82, %dma_wait3A_83, %dma_wait3A_84] : memref<3x1x128xi32, #tpu.memory_space<vmem>> -> memref<1x1x128xi32, #tpu.memory_space<vmem>>
    %dma_wait3A_86 = tpu.memref_squeeze %dma_wait3A_85 : memref<1x1x128xi32, #tpu.memory_space<vmem>> -> memref<1x128xi32, #tpu.memory_space<vmem>>
    %dma_wait3A_87 = arith.constant 0 : i32
    %dma_wait3A_88 = arith.constant 0 : i32
    %dma_wait3A_89 = tpu.memref_slice %arg2[%dma_wait3A_87, %dma_wait3A_88] : memref<25600x128xi32, #tpu.memory_space<hbm>> -> memref<1x128xi32, #tpu.memory_space<hbm>>
    %dma_wait3A_90 = arith.constant 0 : i32
    %dma_wait3A_91 = arith.constant 0 : i32
    %dma_wait3A_92 = tpu.memref_slice %arg5[%dma_wait3A_82, %dma_wait3A_90, %dma_wait3A_91] : memref<3x1x128xi32, #tpu.memory_space<vmem>> -> memref<1x1x128xi32, #tpu.memory_space<vmem>>
    %dma_wait3A_93 = tpu.memref_squeeze %dma_wait3A_92 : memref<1x1x128xi32, #tpu.memory_space<vmem>> -> memref<1x128xi32, #tpu.memory_space<vmem>>
    %dma_wait3A_94 = arith.constant 0 : i32
    %dma_wait3A_95 = arith.constant 0 : i32
    %dma_wait3A_96 = tpu.memref_slice %arg2[%dma_wait3A_94, %dma_wait3A_95] : memref<25600x128xi32, #tpu.memory_space<hbm>> -> memref<1x128xi32, #tpu.memory_space<hbm>>
    tpu.wait_dma2 semaphore(%arg8 : memref<!tpu.dma_semaphore, #tpu.memory_space<semaphore_mem>>) src(%dma_wait3A_96 : memref<1x128xi32, #tpu.memory_space<hbm>>) dst(%dma_wait3A_93 : memref<1x128xi32, #tpu.memory_space<vmem>>)
    %dma_start3A_97 = arith.constant 1 : i32
    %dma_start3A_98 = arith.constant 0 : i32
    %dma_start3A_99 = arith.constant 1 : i32
    %dma_start3A_100 = arith.constant 0 : i32
    %dma_start3A_101 = arith.constant 0 : i32
    %dma_start3A_102 = arith.constant 0 : i32
    %dma_start3A_103 = tpu.memref_slice %arg6[%dma_start3A_99, %dma_start3A_100, %dma_start3A_101, %dma_start3A_102] : memref<3x1x128x128xf32, #tpu.memory_space<vmem>> -> memref<1x1x128x128xf32, #tpu.memory_space<vmem>>
    %dma_start3A_104 = tpu.memref_squeeze %dma_start3A_103 : memref<1x1x128x128xf32, #tpu.memory_space<vmem>> -> memref<128x128xf32, #tpu.memory_space<vmem>>
    %dma_start3A_105 = arith.constant 0 : i32
    %dma_start3A_106 = tpu.memref_slice %arg5[%dma_start3A_97, %dma_start3A_98, %dma_start3A_105] : memref<3x1x128xi32, #tpu.memory_space<vmem>> -> memref<1x1x128xi32, #tpu.memory_space<vmem>>
    %dma_start3A_107 = tpu.memref_squeeze %dma_start3A_106 : memref<1x1x128xi32, #tpu.memory_space<vmem>> -> memref<128xi32, #tpu.memory_space<vmem>>
    %dma_start3A_108 = arith.constant 0 : i32
    %dma_start3A_109 = arith.constant 0 : i32
    %dma_start3A_110 = tpu.memref_slice %arg7[%dma_start3A_108, %dma_start3A_109] : memref<8192x128xf32, #tpu.memory_space<vmem_shared>> -> memref<8192x128xf32, #tpu.memory_space<vmem_shared>>
    tpu.enqueue_indirect_dma source(%dma_start3A_110 : memref<8192x128xf32, #tpu.memory_space<vmem_shared>>) target(%dma_start3A_104 : memref<128x128xf32, #tpu.memory_space<vmem>>) offsets(%dma_start3A_107 : memref<128xi32, #tpu.memory_space<vmem>>) semaphore(%arg9 : memref<!tpu.dma_semaphore, #tpu.memory_space<semaphore_mem>>)
    %dma_wait3A_111 = arith.constant 0 : i32
    %dma_wait3A_112 = arith.constant 0 : i32
    %dma_wait3A_113 = arith.constant 0 : i32
    %dma_wait3A_114 = arith.constant 0 : i32
    %dma_wait3A_115 = arith.constant 0 : i32
    %dma_wait3A_116 = arith.constant 0 : i32
    %dma_wait3A_117 = tpu.memref_slice %arg6[%dma_wait3A_113, %dma_wait3A_114, %dma_wait3A_115, %dma_wait3A_116] : memref<3x1x128x128xf32, #tpu.memory_space<vmem>> -> memref<1x1x128x128xf32, #tpu.memory_space<vmem>>
    %dma_wait3A_118 = tpu.memref_squeeze %dma_wait3A_117 : memref<1x1x128x128xf32, #tpu.memory_space<vmem>> -> memref<128x128xf32, #tpu.memory_space<vmem>>
    %dma_wait3A_119 = arith.constant 0 : i32
    %dma_wait3A_120 = tpu.memref_slice %arg5[%dma_wait3A_111, %dma_wait3A_112, %dma_wait3A_119] : memref<3x1x128xi32, #tpu.memory_space<vmem>> -> memref<1x1x128xi32, #tpu.memory_space<vmem>>
    %dma_wait3A_121 = tpu.memref_squeeze %dma_wait3A_120 : memref<1x1x128xi32, #tpu.memory_space<vmem>> -> memref<128xi32, #tpu.memory_space<vmem>>
    %dma_wait3A_122 = arith.constant 0 : i32
    %dma_wait3A_123 = arith.constant 0 : i32
    %dma_wait3A_124 = tpu.memref_slice %arg7[%dma_wait3A_122, %dma_wait3A_123] : memref<8192x128xf32, #tpu.memory_space<vmem_shared>> -> memref<8192x128xf32, #tpu.memory_space<vmem_shared>>
    tpu.wait_indirect_dma semaphore(%arg9 : memref<!tpu.dma_semaphore, #tpu.memory_space<semaphore_mem>>) src(%dma_wait3A_124 : memref<8192x128xf32, #tpu.memory_space<vmem_shared>>) dst(%dma_wait3A_118 : memref<128x128xf32, #tpu.memory_space<vmem>>)
    %add3A_125 = arith.constant 0 : i32
    %add3A_126 = arith.addi %mul3A_4, %add3A_125 : i32
    %dma_start3A_127 = arith.constant 0 : i32
    %dma_start3A_128 = arith.constant 0 : i32
    %dma_start3A_129 = arith.constant 0 : i32
    %dma_start3A_130 = arith.constant 0 : i32
    %dma_start3A_131 = tpu.memref_slice %arg6[%dma_start3A_127, %dma_start3A_128, %dma_start3A_129, %dma_start3A_130] : memref<3x1x128x128xf32, #tpu.memory_space<vmem>> -> memref<1x1x128x128xf32, #tpu.memory_space<vmem>>
    %dma_start3A_132 = tpu.memref_squeeze %dma_start3A_131 : memref<1x1x128x128xf32, #tpu.memory_space<vmem>> -> memref<1x128x128xf32, #tpu.memory_space<vmem>>
    %dma_start3A_133 = arith.constant 0 : i32
    %dma_start3A_134 = arith.constant 0 : i32
    %dma_start3A_135 = tpu.memref_slice %arg4[%add3A_126, %dma_start3A_133, %dma_start3A_134] : memref<25600x128x128xf32, #tpu.memory_space<hbm>> -> memref<1x128x128xf32, #tpu.memory_space<hbm>>
    %dma_start3A_136 = arith.constant 0 : i32
    %dma_start3A_137 = arith.constant 0 : i32
    %dma_start3A_138 = tpu.memref_slice %arg4[%add3A_126, %dma_start3A_136, %dma_start3A_137] : memref<25600x128x128xf32, #tpu.memory_space<hbm>> -> memref<1x128x128xf32, #tpu.memory_space<hbm>>
    %dma_start3A_139 = arith.constant 0 : i32
    %dma_start3A_140 = arith.constant 0 : i32
    %dma_start3A_141 = arith.constant 0 : i32
    %dma_start3A_142 = tpu.memref_slice %arg6[%dma_start3A_127, %dma_start3A_139, %dma_start3A_140, %dma_start3A_141] : memref<3x1x128x128xf32, #tpu.memory_space<vmem>> -> memref<1x1x128x128xf32, #tpu.memory_space<vmem>>
    %dma_start3A_143 = tpu.memref_squeeze %dma_start3A_142 : memref<1x1x128x128xf32, #tpu.memory_space<vmem>> -> memref<1x128x128xf32, #tpu.memory_space<vmem>>
    tpu.enqueue_dma source(%dma_start3A_143 : memref<1x128x128xf32, #tpu.memory_space<vmem>>) target(%dma_start3A_138 : memref<1x128x128xf32, #tpu.memory_space<hbm>>) target_semaphore(%arg10 : memref<!tpu.dma_semaphore, #tpu.memory_space<semaphore_mem>>)
    %add3A_144 = arith.constant 3 : i32
    %add3A_145 = arith.addi %mul3A_4, %add3A_144 : i32
    %min3A_146 = arith.constant 25599 : i32
    %min3A_147 = arith.minsi %add3A_145, %min3A_146 : i32
    %dma_start3A_148 = arith.constant 0 : i32
    %dma_start3A_149 = arith.constant 0 : i32
    %dma_start3A_150 = arith.constant 0 : i32
    %dma_start3A_151 = tpu.memref_slice %arg5[%dma_start3A_148, %dma_start3A_149, %dma_start3A_150] : memref<3x1x128xi32, #tpu.memory_space<vmem>> -> memref<1x1x128xi32, #tpu.memory_space<vmem>>
    %dma_start3A_152 = tpu.memref_squeeze %dma_start3A_151 : memref<1x1x128xi32, #tpu.memory_space<vmem>> -> memref<1x128xi32, #tpu.memory_space<vmem>>
    %dma_start3A_153 = arith.constant 0 : i32
    %dma_start3A_154 = tpu.memref_slice %arg2[%min3A_147, %dma_start3A_153] : memref<25600x128xi32, #tpu.memory_space<hbm>> -> memref<1x128xi32, #tpu.memory_space<hbm>>
    %dma_start3A_155 = arith.constant 0 : i32
    %dma_start3A_156 = arith.constant 0 : i32
    %dma_start3A_157 = tpu.memref_slice %arg5[%dma_start3A_148, %dma_start3A_155, %dma_start3A_156] : memref<3x1x128xi32, #tpu.memory_space<vmem>> -> memref<1x1x128xi32, #tpu.memory_space<vmem>>
    %dma_start3A_158 = tpu.memref_squeeze %dma_start3A_157 : memref<1x1x128xi32, #tpu.memory_space<vmem>> -> memref<1x128xi32, #tpu.memory_space<vmem>>
    %dma_start3A_159 = arith.constant 0 : i32
    %dma_start3A_160 = tpu.memref_slice %arg2[%min3A_147, %dma_start3A_159] : memref<25600x128xi32, #tpu.memory_space<hbm>> -> memref<1x128xi32, #tpu.memory_space<hbm>>
    tpu.enqueue_dma source(%dma_start3A_160 : memref<1x128xi32, #tpu.memory_space<hbm>>) target(%dma_start3A_158 : memref<1x128xi32, #tpu.memory_space<vmem>>) target_semaphore(%arg8 : memref<!tpu.dma_semaphore, #tpu.memory_space<semaphore_mem>>)
    %dma_wait3A_161 = arith.constant 2 : i32
    %dma_wait3A_162 = arith.constant 0 : i32
    %dma_wait3A_163 = arith.constant 0 : i32
    %dma_wait3A_164 = tpu.memref_slice %arg5[%dma_wait3A_161, %dma_wait3A_162, %dma_wait3A_163] : memref<3x1x128xi32, #tpu.memory_space<vmem>> -> memref<1x1x128xi32, #tpu.memory_space<vmem>>
    %dma_wait3A_165 = tpu.memref_squeeze %dma_wait3A_164 : memref<1x1x128xi32, #tpu.memory_space<vmem>> -> memref<1x128xi32, #tpu.memory_space<vmem>>
    %dma_wait3A_166 = arith.constant 0 : i32
    %dma_wait3A_167 = arith.constant 0 : i32
    %dma_wait3A_168 = tpu.memref_slice %arg2[%dma_wait3A_166, %dma_wait3A_167] : memref<25600x128xi32, #tpu.memory_space<hbm>> -> memref<1x128xi32, #tpu.memory_space<hbm>>
    %dma_wait3A_169 = arith.constant 0 : i32
    %dma_wait3A_170 = arith.constant 0 : i32
    %dma_wait3A_171 = tpu.memref_slice %arg5[%dma_wait3A_161, %dma_wait3A_169, %dma_wait3A_170] : memref<3x1x128xi32, #tpu.memory_space<vmem>> -> memref<1x1x128xi32, #tpu.memory_space<vmem>>
    %dma_wait3A_172 = tpu.memref_squeeze %dma_wait3A_171 : memref<1x1x128xi32, #tpu.memory_space<vmem>> -> memref<1x128xi32, #tpu.memory_space<vmem>>
    %dma_wait3A_173 = arith.constant 0 : i32
    %dma_wait3A_174 = arith.constant 0 : i32
    %dma_wait3A_175 = tpu.memref_slice %arg2[%dma_wait3A_173, %dma_wait3A_174] : memref<25600x128xi32, #tpu.memory_space<hbm>> -> memref<1x128xi32, #tpu.memory_space<hbm>>
    tpu.wait_dma2 semaphore(%arg8 : memref<!tpu.dma_semaphore, #tpu.memory_space<semaphore_mem>>) src(%dma_wait3A_175 : memref<1x128xi32, #tpu.memory_space<hbm>>) dst(%dma_wait3A_172 : memref<1x128xi32, #tpu.memory_space<vmem>>)
    %dma_start3A_176 = arith.constant 2 : i32
    %dma_start3A_177 = arith.constant 0 : i32
    %dma_start3A_178 = arith.constant 2 : i32
    %dma_start3A_179 = arith.constant 0 : i32
    %dma_start3A_180 = arith.constant 0 : i32
    %dma_start3A_181 = arith.constant 0 : i32
    %dma_start3A_182 = tpu.memref_slice %arg6[%dma_start3A_178, %dma_start3A_179, %dma_start3A_180, %dma_start3A_181] : memref<3x1x128x128xf32, #tpu.memory_space<vmem>> -> memref<1x1x128x128xf32, #tpu.memory_space<vmem>>
    %dma_start3A_183 = tpu.memref_squeeze %dma_start3A_182 : memref<1x1x128x128xf32, #tpu.memory_space<vmem>> -> memref<128x128xf32, #tpu.memory_space<vmem>>
    %dma_start3A_184 = arith.constant 0 : i32
    %dma_start3A_185 = tpu.memref_slice %arg5[%dma_start3A_176, %dma_start3A_177, %dma_start3A_184] : memref<3x1x128xi32, #tpu.memory_space<vmem>> -> memref<1x1x128xi32, #tpu.memory_space<vmem>>
    %dma_start3A_186 = tpu.memref_squeeze %dma_start3A_185 : memref<1x1x128xi32, #tpu.memory_space<vmem>> -> memref<128xi32, #tpu.memory_space<vmem>>
    %dma_start3A_187 = arith.constant 0 : i32
    %dma_start3A_188 = arith.constant 0 : i32
    %dma_start3A_189 = tpu.memref_slice %arg7[%dma_start3A_187, %dma_start3A_188] : memref<8192x128xf32, #tpu.memory_space<vmem_shared>> -> memref<8192x128xf32, #tpu.memory_space<vmem_shared>>
    tpu.enqueue_indirect_dma source(%dma_start3A_189 : memref<8192x128xf32, #tpu.memory_space<vmem_shared>>) target(%dma_start3A_183 : memref<128x128xf32, #tpu.memory_space<vmem>>) offsets(%dma_start3A_186 : memref<128xi32, #tpu.memory_space<vmem>>) semaphore(%arg9 : memref<!tpu.dma_semaphore, #tpu.memory_space<semaphore_mem>>)
    %scan3A = arith.constant 0 : i32
    %scan3A_190 = arith.constant 1 : i32
    %scan3A_191 = arith.constant 797 : i32
    %scan3A_192 = arith.addi %scan3A_190, %scan3A_191 : i32
    %scan3A_193 = arith.constant 1 : i32
    scf.for %scan3A_397 = %scan3A_190 to %scan3A_192 step %scan3A_193  : i32 {
      %rem3A = arith.constant 3 : i32
      %rem3A_398 = arith.remsi %scan3A_397, %rem3A : i32
      %add3A_399 = arith.constant 2 : i32
      %add3A_400 = arith.addi %scan3A_397, %add3A_399 : i32
      %rem3A_401 = arith.constant 3 : i32
      %rem3A_402 = arith.remsi %add3A_400, %rem3A_401 : i32
      %dma_wait3A_403 = arith.constant 0 : i32
      %dma_wait3A_404 = arith.constant 0 : i32
      %dma_wait3A_405 = arith.constant 0 : i32
      %dma_wait3A_406 = arith.constant 0 : i32
      %dma_wait3A_407 = tpu.memref_slice %arg6[%rem3A_398, %dma_wait3A_404, %dma_wait3A_405, %dma_wait3A_406] : memref<3x1x128x128xf32, #tpu.memory_space<vmem>> -> memref<1x1x128x128xf32, #tpu.memory_space<vmem>>
      %dma_wait3A_408 = tpu.memref_squeeze %dma_wait3A_407 : memref<1x1x128x128xf32, #tpu.memory_space<vmem>> -> memref<128x128xf32, #tpu.memory_space<vmem>>
      %dma_wait3A_409 = arith.constant 0 : i32
      %dma_wait3A_410 = tpu.memref_slice %arg5[%rem3A_398, %dma_wait3A_403, %dma_wait3A_409] : memref<3x1x128xi32, #tpu.memory_space<vmem>> -> memref<1x1x128xi32, #tpu.memory_space<vmem>>
      %dma_wait3A_411 = tpu.memref_squeeze %dma_wait3A_410 : memref<1x1x128xi32, #tpu.memory_space<vmem>> -> memref<128xi32, #tpu.memory_space<vmem>>
      %dma_wait3A_412 = arith.constant 0 : i32
      %dma_wait3A_413 = arith.constant 0 : i32
      %dma_wait3A_414 = tpu.memref_slice %arg7[%dma_wait3A_412, %dma_wait3A_413] : memref<8192x128xf32, #tpu.memory_space<vmem_shared>> -> memref<8192x128xf32, #tpu.memory_space<vmem_shared>>
      tpu.wait_indirect_dma semaphore(%arg9 : memref<!tpu.dma_semaphore, #tpu.memory_space<semaphore_mem>>) src(%dma_wait3A_414 : memref<8192x128xf32, #tpu.memory_space<vmem_shared>>) dst(%dma_wait3A_408 : memref<128x128xf32, #tpu.memory_space<vmem>>)
      %mul3A_415 = arith.constant 1 : i32
      %mul3A_416 = arith.muli %scan3A_397, %mul3A_415 : i32
      %add3A_417 = arith.addi %mul3A_4, %mul3A_416 : i32
      %dma_start3A_418 = arith.constant 0 : i32
      %dma_start3A_419 = arith.constant 0 : i32
      %dma_start3A_420 = arith.constant 0 : i32
      %dma_start3A_421 = tpu.memref_slice %arg6[%rem3A_398, %dma_start3A_418, %dma_start3A_419, %dma_start3A_420] : memref<3x1x128x128xf32, #tpu.memory_space<vmem>> -> memref<1x1x128x128xf32, #tpu.memory_space<vmem>>
      %dma_start3A_422 = tpu.memref_squeeze %dma_start3A_421 : memref<1x1x128x128xf32, #tpu.memory_space<vmem>> -> memref<1x128x128xf32, #tpu.memory_space<vmem>>
      %dma_start3A_423 = arith.constant 0 : i32
      %dma_start3A_424 = arith.constant 0 : i32
      %dma_start3A_425 = tpu.memref_slice %arg4[%add3A_417, %dma_start3A_423, %dma_start3A_424] : memref<25600x128x128xf32, #tpu.memory_space<hbm>> -> memref<1x128x128xf32, #tpu.memory_space<hbm>>
      %dma_start3A_426 = arith.constant 0 : i32
      %dma_start3A_427 = arith.constant 0 : i32
      %dma_start3A_428 = tpu.memref_slice %arg4[%add3A_417, %dma_start3A_426, %dma_start3A_427] : memref<25600x128x128xf32, #tpu.memory_space<hbm>> -> memref<1x128x128xf32, #tpu.memory_space<hbm>>
      %dma_start3A_429 = arith.constant 0 : i32
      %dma_start3A_430 = arith.constant 0 : i32
      %dma_start3A_431 = arith.constant 0 : i32
      %dma_start3A_432 = tpu.memref_slice %arg6[%rem3A_398, %dma_start3A_429, %dma_start3A_430, %dma_start3A_431] : memref<3x1x128x128xf32, #tpu.memory_space<vmem>> -> memref<1x1x128x128xf32, #tpu.memory_space<vmem>>
      %dma_start3A_433 = tpu.memref_squeeze %dma_start3A_432 : memref<1x1x128x128xf32, #tpu.memory_space<vmem>> -> memref<1x128x128xf32, #tpu.memory_space<vmem>>
      tpu.enqueue_dma source(%dma_start3A_433 : memref<1x128x128xf32, #tpu.memory_space<vmem>>) target(%dma_start3A_428 : memref<1x128x128xf32, #tpu.memory_space<hbm>>) target_semaphore(%arg10 : memref<!tpu.dma_semaphore, #tpu.memory_space<semaphore_mem>>)
      %add3A_434 = arith.constant 3 : i32
      %add3A_435 = arith.addi %scan3A_397, %add3A_434 : i32
      %mul3A_436 = arith.constant 1 : i32
      %mul3A_437 = arith.muli %add3A_435, %mul3A_436 : i32
      %add3A_438 = arith.addi %mul3A_4, %mul3A_437 : i32
      %min3A_439 = arith.constant 25599 : i32
      %min3A_440 = arith.minsi %add3A_438, %min3A_439 : i32
      %dma_start3A_441 = arith.constant 0 : i32
      %dma_start3A_442 = arith.constant 0 : i32
      %dma_start3A_443 = tpu.memref_slice %arg5[%rem3A_398, %dma_start3A_441, %dma_start3A_442] : memref<3x1x128xi32, #tpu.memory_space<vmem>> -> memref<1x1x128xi32, #tpu.memory_space<vmem>>
      %dma_start3A_444 = tpu.memref_squeeze %dma_start3A_443 : memref<1x1x128xi32, #tpu.memory_space<vmem>> -> memref<1x128xi32, #tpu.memory_space<vmem>>
      %dma_start3A_445 = arith.constant 0 : i32
      %dma_start3A_446 = tpu.memref_slice %arg2[%min3A_440, %dma_start3A_445] : memref<25600x128xi32, #tpu.memory_space<hbm>> -> memref<1x128xi32, #tpu.memory_space<hbm>>
      %dma_start3A_447 = arith.constant 0 : i32
      %dma_start3A_448 = arith.constant 0 : i32
      %dma_start3A_449 = tpu.memref_slice %arg5[%rem3A_398, %dma_start3A_447, %dma_start3A_448] : memref<3x1x128xi32, #tpu.memory_space<vmem>> -> memref<1x1x128xi32, #tpu.memory_space<vmem>>
      %dma_start3A_450 = tpu.memref_squeeze %dma_start3A_449 : memref<1x1x128xi32, #tpu.memory_space<vmem>> -> memref<1x128xi32, #tpu.memory_space<vmem>>
      %dma_start3A_451 = arith.constant 0 : i32
      %dma_start3A_452 = tpu.memref_slice %arg2[%min3A_440, %dma_start3A_451] : memref<25600x128xi32, #tpu.memory_space<hbm>> -> memref<1x128xi32, #tpu.memory_space<hbm>>
      tpu.enqueue_dma source(%dma_start3A_452 : memref<1x128xi32, #tpu.memory_space<hbm>>) target(%dma_start3A_450 : memref<1x128xi32, #tpu.memory_space<vmem>>) target_semaphore(%arg8 : memref<!tpu.dma_semaphore, #tpu.memory_space<semaphore_mem>>)
      %dma_wait3A_453 = arith.constant 0 : i32
      %dma_wait3A_454 = arith.constant 0 : i32
      %dma_wait3A_455 = tpu.memref_slice %arg5[%rem3A_402, %dma_wait3A_453, %dma_wait3A_454] : memref<3x1x128xi32, #tpu.memory_space<vmem>> -> memref<1x1x128xi32, #tpu.memory_space<vmem>>
      %dma_wait3A_456 = tpu.memref_squeeze %dma_wait3A_455 : memref<1x1x128xi32, #tpu.memory_space<vmem>> -> memref<1x128xi32, #tpu.memory_space<vmem>>
      %dma_wait3A_457 = arith.constant 0 : i32
      %dma_wait3A_458 = arith.constant 0 : i32
      %dma_wait3A_459 = tpu.memref_slice %arg2[%dma_wait3A_457, %dma_wait3A_458] : memref<25600x128xi32, #tpu.memory_space<hbm>> -> memref<1x128xi32, #tpu.memory_space<hbm>>
      %dma_wait3A_460 = arith.constant 0 : i32
      %dma_wait3A_461 = arith.constant 0 : i32
      %dma_wait3A_462 = tpu.memref_slice %arg5[%rem3A_402, %dma_wait3A_460, %dma_wait3A_461] : memref<3x1x128xi32, #tpu.memory_space<vmem>> -> memref<1x1x128xi32, #tpu.memory_space<vmem>>
      %dma_wait3A_463 = tpu.memref_squeeze %dma_wait3A_462 : memref<1x1x128xi32, #tpu.memory_space<vmem>> -> memref<1x128xi32, #tpu.memory_space<vmem>>
      %dma_wait3A_464 = arith.constant 0 : i32
      %dma_wait3A_465 = arith.constant 0 : i32
      %dma_wait3A_466 = tpu.memref_slice %arg2[%dma_wait3A_464, %dma_wait3A_465] : memref<25600x128xi32, #tpu.memory_space<hbm>> -> memref<1x128xi32, #tpu.memory_space<hbm>>
      tpu.wait_dma2 semaphore(%arg8 : memref<!tpu.dma_semaphore, #tpu.memory_space<semaphore_mem>>) src(%dma_wait3A_466 : memref<1x128xi32, #tpu.memory_space<hbm>>) dst(%dma_wait3A_463 : memref<1x128xi32, #tpu.memory_space<vmem>>)
      %dma_wait3A_467 = arith.constant 0 : i32
      %dma_wait3A_468 = arith.constant 0 : i32
      %dma_wait3A_469 = arith.constant 0 : i32
      %dma_wait3A_470 = tpu.memref_slice %arg6[%rem3A_402, %dma_wait3A_467, %dma_wait3A_468, %dma_wait3A_469] : memref<3x1x128x128xf32, #tpu.memory_space<vmem>> -> memref<1x1x128x128xf32, #tpu.memory_space<vmem>>
      %dma_wait3A_471 = tpu.memref_squeeze %dma_wait3A_470 : memref<1x1x128x128xf32, #tpu.memory_space<vmem>> -> memref<1x128x128xf32, #tpu.memory_space<vmem>>
      %dma_wait3A_472 = arith.constant 0 : i32
      %dma_wait3A_473 = arith.constant 0 : i32
      %dma_wait3A_474 = arith.constant 0 : i32
      %dma_wait3A_475 = tpu.memref_slice %arg4[%dma_wait3A_472, %dma_wait3A_473, %dma_wait3A_474] : memref<25600x128x128xf32, #tpu.memory_space<hbm>> -> memref<1x128x128xf32, #tpu.memory_space<hbm>>
      %dma_wait3A_476 = arith.constant 0 : i32
      %dma_wait3A_477 = arith.constant 0 : i32
      %dma_wait3A_478 = arith.constant 0 : i32
      %dma_wait3A_479 = tpu.memref_slice %arg4[%dma_wait3A_476, %dma_wait3A_477, %dma_wait3A_478] : memref<25600x128x128xf32, #tpu.memory_space<hbm>> -> memref<1x128x128xf32, #tpu.memory_space<hbm>>
      %dma_wait3A_480 = arith.constant 0 : i32
      %dma_wait3A_481 = arith.constant 0 : i32
      %dma_wait3A_482 = arith.constant 0 : i32
      %dma_wait3A_483 = tpu.memref_slice %arg6[%rem3A_402, %dma_wait3A_480, %dma_wait3A_481, %dma_wait3A_482] : memref<3x1x128x128xf32, #tpu.memory_space<vmem>> -> memref<1x1x128x128xf32, #tpu.memory_space<vmem>>
      %dma_wait3A_484 = tpu.memref_squeeze %dma_wait3A_483 : memref<1x1x128x128xf32, #tpu.memory_space<vmem>> -> memref<1x128x128xf32, #tpu.memory_space<vmem>>
      tpu.wait_dma2 semaphore(%arg10 : memref<!tpu.dma_semaphore, #tpu.memory_space<semaphore_mem>>) src(%dma_wait3A_484 : memref<1x128x128xf32, #tpu.memory_space<vmem>>) dst(%dma_wait3A_479 : memref<1x128x128xf32, #tpu.memory_space<hbm>>)
      %dma_start3A_485 = arith.constant 0 : i32
      %dma_start3A_486 = arith.constant 0 : i32
      %dma_start3A_487 = arith.constant 0 : i32
      %dma_start3A_488 = arith.constant 0 : i32
      %dma_start3A_489 = tpu.memref_slice %arg6[%rem3A_402, %dma_start3A_486, %dma_start3A_487, %dma_start3A_488] : memref<3x1x128x128xf32, #tpu.memory_space<vmem>> -> memref<1x1x128x128xf32, #tpu.memory_space<vmem>>
      %dma_start3A_490 = tpu.memref_squeeze %dma_start3A_489 : memref<1x1x128x128xf32, #tpu.memory_space<vmem>> -> memref<128x128xf32, #tpu.memory_space<vmem>>
      %dma_start3A_491 = arith.constant 0 : i32
      %dma_start3A_492 = tpu.memref_slice %arg5[%rem3A_402, %dma_start3A_485, %dma_start3A_491] : memref<3x1x128xi32, #tpu.memory_space<vmem>> -> memref<1x1x128xi32, #tpu.memory_space<vmem>>
      %dma_start3A_493 = tpu.memref_squeeze %dma_start3A_492 : memref<1x1x128xi32, #tpu.memory_space<vmem>> -> memref<128xi32, #tpu.memory_space<vmem>>
      %dma_start3A_494 = arith.constant 0 : i32
      %dma_start3A_495 = arith.constant 0 : i32
      %dma_start3A_496 = tpu.memref_slice %arg7[%dma_start3A_494, %dma_start3A_495] : memref<8192x128xf32, #tpu.memory_space<vmem_shared>> -> memref<8192x128xf32, #tpu.memory_space<vmem_shared>>
      tpu.enqueue_indirect_dma source(%dma_start3A_496 : memref<8192x128xf32, #tpu.memory_space<vmem_shared>>) target(%dma_start3A_490 : memref<128x128xf32, #tpu.memory_space<vmem>>) offsets(%dma_start3A_493 : memref<128xi32, #tpu.memory_space<vmem>>) semaphore(%arg9 : memref<!tpu.dma_semaphore, #tpu.memory_space<semaphore_mem>>)
    }
    %scan3A_194 = arith.constant 797 : i32
    %dma_wait3A_195 = arith.constant 0 : i32
    %dma_wait3A_196 = arith.constant 0 : i32
    %dma_wait3A_197 = arith.constant 0 : i32
    %dma_wait3A_198 = arith.constant 0 : i32
    %dma_wait3A_199 = arith.constant 0 : i32
    %dma_wait3A_200 = arith.constant 0 : i32
    %dma_wait3A_201 = tpu.memref_slice %arg6[%dma_wait3A_197, %dma_wait3A_198, %dma_wait3A_199, %dma_wait3A_200] : memref<3x1x128x128xf32, #tpu.memory_space<vmem>> -> memref<1x1x128x128xf32, #tpu.memory_space<vmem>>
    %dma_wait3A_202 = tpu.memref_squeeze %dma_wait3A_201 : memref<1x1x128x128xf32, #tpu.memory_space<vmem>> -> memref<128x128xf32, #tpu.memory_space<vmem>>
    %dma_wait3A_203 = arith.constant 0 : i32
    %dma_wait3A_204 = tpu.memref_slice %arg5[%dma_wait3A_195, %dma_wait3A_196, %dma_wait3A_203] : memref<3x1x128xi32, #tpu.memory_space<vmem>> -> memref<1x1x128xi32, #tpu.memory_space<vmem>>
    %dma_wait3A_205 = tpu.memref_squeeze %dma_wait3A_204 : memref<1x1x128xi32, #tpu.memory_space<vmem>> -> memref<128xi32, #tpu.memory_space<vmem>>
    %dma_wait3A_206 = arith.constant 0 : i32
    %dma_wait3A_207 = arith.constant 0 : i32
    %dma_wait3A_208 = tpu.memref_slice %arg7[%dma_wait3A_206, %dma_wait3A_207] : memref<8192x128xf32, #tpu.memory_space<vmem_shared>> -> memref<8192x128xf32, #tpu.memory_space<vmem_shared>>
    tpu.wait_indirect_dma semaphore(%arg9 : memref<!tpu.dma_semaphore, #tpu.memory_space<semaphore_mem>>) src(%dma_wait3A_208 : memref<8192x128xf32, #tpu.memory_space<vmem_shared>>) dst(%dma_wait3A_202 : memref<128x128xf32, #tpu.memory_space<vmem>>)
    %add3A_209 = arith.constant 798 : i32
    %add3A_210 = arith.addi %mul3A_4, %add3A_209 : i32
    %dma_start3A_211 = arith.constant 0 : i32
    %dma_start3A_212 = arith.constant 0 : i32
    %dma_start3A_213 = arith.constant 0 : i32
    %dma_start3A_214 = arith.constant 0 : i32
    %dma_start3A_215 = tpu.memref_slice %arg6[%dma_start3A_211, %dma_start3A_212, %dma_start3A_213, %dma_start3A_214] : memref<3x1x128x128xf32, #tpu.memory_space<vmem>> -> memref<1x1x128x128xf32, #tpu.memory_space<vmem>>
    %dma_start3A_216 = tpu.memref_squeeze %dma_start3A_215 : memref<1x1x128x128xf32, #tpu.memory_space<vmem>> -> memref<1x128x128xf32, #tpu.memory_space<vmem>>
    %dma_start3A_217 = arith.constant 0 : i32
    %dma_start3A_218 = arith.constant 0 : i32
    %dma_start3A_219 = tpu.memref_slice %arg4[%add3A_210, %dma_start3A_217, %dma_start3A_218] : memref<25600x128x128xf32, #tpu.memory_space<hbm>> -> memref<1x128x128xf32, #tpu.memory_space<hbm>>
    %dma_start3A_220 = arith.constant 0 : i32
    %dma_start3A_221 = arith.constant 0 : i32
    %dma_start3A_222 = tpu.memref_slice %arg4[%add3A_210, %dma_start3A_220, %dma_start3A_221] : memref<25600x128x128xf32, #tpu.memory_space<hbm>> -> memref<1x128x128xf32, #tpu.memory_space<hbm>>
    %dma_start3A_223 = arith.constant 0 : i32
    %dma_start3A_224 = arith.constant 0 : i32
    %dma_start3A_225 = arith.constant 0 : i32
    %dma_start3A_226 = tpu.memref_slice %arg6[%dma_start3A_211, %dma_start3A_223, %dma_start3A_224, %dma_start3A_225] : memref<3x1x128x128xf32, #tpu.memory_space<vmem>> -> memref<1x1x128x128xf32, #tpu.memory_space<vmem>>
    %dma_start3A_227 = tpu.memref_squeeze %dma_start3A_226 : memref<1x1x128x128xf32, #tpu.memory_space<vmem>> -> memref<1x128x128xf32, #tpu.memory_space<vmem>>
    tpu.enqueue_dma source(%dma_start3A_227 : memref<1x128x128xf32, #tpu.memory_space<vmem>>) target(%dma_start3A_222 : memref<1x128x128xf32, #tpu.memory_space<hbm>>) target_semaphore(%arg10 : memref<!tpu.dma_semaphore, #tpu.memory_space<semaphore_mem>>)
    %add3A_228 = arith.constant 801 : i32
    %add3A_229 = arith.addi %mul3A_4, %add3A_228 : i32
    %min3A_230 = arith.constant 25599 : i32
    %min3A_231 = arith.minsi %add3A_229, %min3A_230 : i32
    %dma_start3A_232 = arith.constant 0 : i32
    %dma_start3A_233 = arith.constant 0 : i32
    %dma_start3A_234 = arith.constant 0 : i32
    %dma_start3A_235 = tpu.memref_slice %arg5[%dma_start3A_232, %dma_start3A_233, %dma_start3A_234] : memref<3x1x128xi32, #tpu.memory_space<vmem>> -> memref<1x1x128xi32, #tpu.memory_space<vmem>>
    %dma_start3A_236 = tpu.memref_squeeze %dma_start3A_235 : memref<1x1x128xi32, #tpu.memory_space<vmem>> -> memref<1x128xi32, #tpu.memory_space<vmem>>
    %dma_start3A_237 = arith.constant 0 : i32
    %dma_start3A_238 = tpu.memref_slice %arg2[%min3A_231, %dma_start3A_237] : memref<25600x128xi32, #tpu.memory_space<hbm>> -> memref<1x128xi32, #tpu.memory_space<hbm>>
    %dma_start3A_239 = arith.constant 0 : i32
    %dma_start3A_240 = arith.constant 0 : i32
    %dma_start3A_241 = tpu.memref_slice %arg5[%dma_start3A_232, %dma_start3A_239, %dma_start3A_240] : memref<3x1x128xi32, #tpu.memory_space<vmem>> -> memref<1x1x128xi32, #tpu.memory_space<vmem>>
    %dma_start3A_242 = tpu.memref_squeeze %dma_start3A_241 : memref<1x1x128xi32, #tpu.memory_space<vmem>> -> memref<1x128xi32, #tpu.memory_space<vmem>>
    %dma_start3A_243 = arith.constant 0 : i32
    %dma_start3A_244 = tpu.memref_slice %arg2[%min3A_231, %dma_start3A_243] : memref<25600x128xi32, #tpu.memory_space<hbm>> -> memref<1x128xi32, #tpu.memory_space<hbm>>
    tpu.enqueue_dma source(%dma_start3A_244 : memref<1x128xi32, #tpu.memory_space<hbm>>) target(%dma_start3A_242 : memref<1x128xi32, #tpu.memory_space<vmem>>) target_semaphore(%arg8 : memref<!tpu.dma_semaphore, #tpu.memory_space<semaphore_mem>>)
    %dma_wait3A_245 = arith.constant 1 : i32
    %dma_wait3A_246 = arith.constant 0 : i32
    %dma_wait3A_247 = arith.constant 1 : i32
    %dma_wait3A_248 = arith.constant 0 : i32
    %dma_wait3A_249 = arith.constant 0 : i32
    %dma_wait3A_250 = arith.constant 0 : i32
    %dma_wait3A_251 = tpu.memref_slice %arg6[%dma_wait3A_247, %dma_wait3A_248, %dma_wait3A_249, %dma_wait3A_250] : memref<3x1x128x128xf32, #tpu.memory_space<vmem>> -> memref<1x1x128x128xf32, #tpu.memory_space<vmem>>
    %dma_wait3A_252 = tpu.memref_squeeze %dma_wait3A_251 : memref<1x1x128x128xf32, #tpu.memory_space<vmem>> -> memref<128x128xf32, #tpu.memory_space<vmem>>
    %dma_wait3A_253 = arith.constant 0 : i32
    %dma_wait3A_254 = tpu.memref_slice %arg5[%dma_wait3A_245, %dma_wait3A_246, %dma_wait3A_253] : memref<3x1x128xi32, #tpu.memory_space<vmem>> -> memref<1x1x128xi32, #tpu.memory_space<vmem>>
    %dma_wait3A_255 = tpu.memref_squeeze %dma_wait3A_254 : memref<1x1x128xi32, #tpu.memory_space<vmem>> -> memref<128xi32, #tpu.memory_space<vmem>>
    %dma_wait3A_256 = arith.constant 0 : i32
    %dma_wait3A_257 = arith.constant 0 : i32
    %dma_wait3A_258 = tpu.memref_slice %arg7[%dma_wait3A_256, %dma_wait3A_257] : memref<8192x128xf32, #tpu.memory_space<vmem_shared>> -> memref<8192x128xf32, #tpu.memory_space<vmem_shared>>
    tpu.wait_indirect_dma semaphore(%arg9 : memref<!tpu.dma_semaphore, #tpu.memory_space<semaphore_mem>>) src(%dma_wait3A_258 : memref<8192x128xf32, #tpu.memory_space<vmem_shared>>) dst(%dma_wait3A_252 : memref<128x128xf32, #tpu.memory_space<vmem>>)
    %add3A_259 = arith.constant 799 : i32
    %add3A_260 = arith.addi %mul3A_4, %add3A_259 : i32
    %dma_start3A_261 = arith.constant 1 : i32
    %dma_start3A_262 = arith.constant 0 : i32
    %dma_start3A_263 = arith.constant 0 : i32
    %dma_start3A_264 = arith.constant 0 : i32
    %dma_start3A_265 = tpu.memref_slice %arg6[%dma_start3A_261, %dma_start3A_262, %dma_start3A_263, %dma_start3A_264] : memref<3x1x128x128xf32, #tpu.memory_space<vmem>> -> memref<1x1x128x128xf32, #tpu.memory_space<vmem>>
    %dma_start3A_266 = tpu.memref_squeeze %dma_start3A_265 : memref<1x1x128x128xf32, #tpu.memory_space<vmem>> -> memref<1x128x128xf32, #tpu.memory_space<vmem>>
    %dma_start3A_267 = arith.constant 0 : i32
    %dma_start3A_268 = arith.constant 0 : i32
    %dma_start3A_269 = tpu.memref_slice %arg4[%add3A_260, %dma_start3A_267, %dma_start3A_268] : memref<25600x128x128xf32, #tpu.memory_space<hbm>> -> memref<1x128x128xf32, #tpu.memory_space<hbm>>
    %dma_start3A_270 = arith.constant 0 : i32
    %dma_start3A_271 = arith.constant 0 : i32
    %dma_start3A_272 = tpu.memref_slice %arg4[%add3A_260, %dma_start3A_270, %dma_start3A_271] : memref<25600x128x128xf32, #tpu.memory_space<hbm>> -> memref<1x128x128xf32, #tpu.memory_space<hbm>>
    %dma_start3A_273 = arith.constant 0 : i32
    %dma_start3A_274 = arith.constant 0 : i32
    %dma_start3A_275 = arith.constant 0 : i32
    %dma_start3A_276 = tpu.memref_slice %arg6[%dma_start3A_261, %dma_start3A_273, %dma_start3A_274, %dma_start3A_275] : memref<3x1x128x128xf32, #tpu.memory_space<vmem>> -> memref<1x1x128x128xf32, #tpu.memory_space<vmem>>
    %dma_start3A_277 = tpu.memref_squeeze %dma_start3A_276 : memref<1x1x128x128xf32, #tpu.memory_space<vmem>> -> memref<1x128x128xf32, #tpu.memory_space<vmem>>
    tpu.enqueue_dma source(%dma_start3A_277 : memref<1x128x128xf32, #tpu.memory_space<vmem>>) target(%dma_start3A_272 : memref<1x128x128xf32, #tpu.memory_space<hbm>>) target_semaphore(%arg10 : memref<!tpu.dma_semaphore, #tpu.memory_space<semaphore_mem>>)
    %add3A_278 = arith.constant 802 : i32
    %add3A_279 = arith.addi %mul3A_4, %add3A_278 : i32
    %min3A_280 = arith.constant 25599 : i32
    %min3A_281 = arith.minsi %add3A_279, %min3A_280 : i32
    %dma_start3A_282 = arith.constant 1 : i32
    %dma_start3A_283 = arith.constant 0 : i32
    %dma_start3A_284 = arith.constant 0 : i32
    %dma_start3A_285 = tpu.memref_slice %arg5[%dma_start3A_282, %dma_start3A_283, %dma_start3A_284] : memref<3x1x128xi32, #tpu.memory_space<vmem>> -> memref<1x1x128xi32, #tpu.memory_space<vmem>>
    %dma_start3A_286 = tpu.memref_squeeze %dma_start3A_285 : memref<1x1x128xi32, #tpu.memory_space<vmem>> -> memref<1x128xi32, #tpu.memory_space<vmem>>
    %dma_start3A_287 = arith.constant 0 : i32
    %dma_start3A_288 = tpu.memref_slice %arg2[%min3A_281, %dma_start3A_287] : memref<25600x128xi32, #tpu.memory_space<hbm>> -> memref<1x128xi32, #tpu.memory_space<hbm>>
    %dma_start3A_289 = arith.constant 0 : i32
    %dma_start3A_290 = arith.constant 0 : i32
    %dma_start3A_291 = tpu.memref_slice %arg5[%dma_start3A_282, %dma_start3A_289, %dma_start3A_290] : memref<3x1x128xi32, #tpu.memory_space<vmem>> -> memref<1x1x128xi32, #tpu.memory_space<vmem>>
    %dma_start3A_292 = tpu.memref_squeeze %dma_start3A_291 : memref<1x1x128xi32, #tpu.memory_space<vmem>> -> memref<1x128xi32, #tpu.memory_space<vmem>>
    %dma_start3A_293 = arith.constant 0 : i32
    %dma_start3A_294 = tpu.memref_slice %arg2[%min3A_281, %dma_start3A_293] : memref<25600x128xi32, #tpu.memory_space<hbm>> -> memref<1x128xi32, #tpu.memory_space<hbm>>
    tpu.enqueue_dma source(%dma_start3A_294 : memref<1x128xi32, #tpu.memory_space<hbm>>) target(%dma_start3A_292 : memref<1x128xi32, #tpu.memory_space<vmem>>) target_semaphore(%arg8 : memref<!tpu.dma_semaphore, #tpu.memory_space<semaphore_mem>>)
    %dma_wait3A_295 = arith.constant 0 : i32
    %dma_wait3A_296 = arith.constant 0 : i32
    %dma_wait3A_297 = arith.constant 0 : i32
    %dma_wait3A_298 = arith.constant 0 : i32
    %dma_wait3A_299 = tpu.memref_slice %arg6[%dma_wait3A_295, %dma_wait3A_296, %dma_wait3A_297, %dma_wait3A_298] : memref<3x1x128x128xf32, #tpu.memory_space<vmem>> -> memref<1x1x128x128xf32, #tpu.memory_space<vmem>>
    %dma_wait3A_300 = tpu.memref_squeeze %dma_wait3A_299 : memref<1x1x128x128xf32, #tpu.memory_space<vmem>> -> memref<1x128x128xf32, #tpu.memory_space<vmem>>
    %dma_wait3A_301 = arith.constant 0 : i32
    %dma_wait3A_302 = arith.constant 0 : i32
    %dma_wait3A_303 = arith.constant 0 : i32
    %dma_wait3A_304 = tpu.memref_slice %arg4[%dma_wait3A_301, %dma_wait3A_302, %dma_wait3A_303] : memref<25600x128x128xf32, #tpu.memory_space<hbm>> -> memref<1x128x128xf32, #tpu.memory_space<hbm>>
    %dma_wait3A_305 = arith.constant 0 : i32
    %dma_wait3A_306 = arith.constant 0 : i32
    %dma_wait3A_307 = arith.constant 0 : i32
    %dma_wait3A_308 = tpu.memref_slice %arg4[%dma_wait3A_305, %dma_wait3A_306, %dma_wait3A_307] : memref<25600x128x128xf32, #tpu.memory_space<hbm>> -> memref<1x128x128xf32, #tpu.memory_space<hbm>>
    %dma_wait3A_309 = arith.constant 0 : i32
    %dma_wait3A_310 = arith.constant 0 : i32
    %dma_wait3A_311 = arith.constant 0 : i32
    %dma_wait3A_312 = tpu.memref_slice %arg6[%dma_wait3A_295, %dma_wait3A_309, %dma_wait3A_310, %dma_wait3A_311] : memref<3x1x128x128xf32, #tpu.memory_space<vmem>> -> memref<1x1x128x128xf32, #tpu.memory_space<vmem>>
    %dma_wait3A_313 = tpu.memref_squeeze %dma_wait3A_312 : memref<1x1x128x128xf32, #tpu.memory_space<vmem>> -> memref<1x128x128xf32, #tpu.memory_space<vmem>>
    tpu.wait_dma2 semaphore(%arg10 : memref<!tpu.dma_semaphore, #tpu.memory_space<semaphore_mem>>) src(%dma_wait3A_313 : memref<1x128x128xf32, #tpu.memory_space<vmem>>) dst(%dma_wait3A_308 : memref<1x128x128xf32, #tpu.memory_space<hbm>>)
    %dma_wait3A_314 = arith.constant 0 : i32
    %dma_wait3A_315 = arith.constant 0 : i32
    %dma_wait3A_316 = arith.constant 0 : i32
    %dma_wait3A_317 = tpu.memref_slice %arg5[%dma_wait3A_314, %dma_wait3A_315, %dma_wait3A_316] : memref<3x1x128xi32, #tpu.memory_space<vmem>> -> memref<1x1x128xi32, #tpu.memory_space<vmem>>
    %dma_wait3A_318 = tpu.memref_squeeze %dma_wait3A_317 : memref<1x1x128xi32, #tpu.memory_space<vmem>> -> memref<1x128xi32, #tpu.memory_space<vmem>>
    %dma_wait3A_319 = arith.constant 0 : i32
    %dma_wait3A_320 = arith.constant 0 : i32
    %dma_wait3A_321 = tpu.memref_slice %arg2[%dma_wait3A_319, %dma_wait3A_320] : memref<25600x128xi32, #tpu.memory_space<hbm>> -> memref<1x128xi32, #tpu.memory_space<hbm>>
    %dma_wait3A_322 = arith.constant 0 : i32
    %dma_wait3A_323 = arith.constant 0 : i32
    %dma_wait3A_324 = tpu.memref_slice %arg5[%dma_wait3A_314, %dma_wait3A_322, %dma_wait3A_323] : memref<3x1x128xi32, #tpu.memory_space<vmem>> -> memref<1x1x128xi32, #tpu.memory_space<vmem>>
    %dma_wait3A_325 = tpu.memref_squeeze %dma_wait3A_324 : memref<1x1x128xi32, #tpu.memory_space<vmem>> -> memref<1x128xi32, #tpu.memory_space<vmem>>
    %dma_wait3A_326 = arith.constant 0 : i32
    %dma_wait3A_327 = arith.constant 0 : i32
    %dma_wait3A_328 = tpu.memref_slice %arg2[%dma_wait3A_326, %dma_wait3A_327] : memref<25600x128xi32, #tpu.memory_space<hbm>> -> memref<1x128xi32, #tpu.memory_space<hbm>>
    tpu.wait_dma2 semaphore(%arg8 : memref<!tpu.dma_semaphore, #tpu.memory_space<semaphore_mem>>) src(%dma_wait3A_328 : memref<1x128xi32, #tpu.memory_space<hbm>>) dst(%dma_wait3A_325 : memref<1x128xi32, #tpu.memory_space<vmem>>)
    %dma_wait3A_329 = arith.constant 1 : i32
    %dma_wait3A_330 = arith.constant 0 : i32
    %dma_wait3A_331 = arith.constant 0 : i32
    %dma_wait3A_332 = arith.constant 0 : i32
    %dma_wait3A_333 = tpu.memref_slice %arg6[%dma_wait3A_329, %dma_wait3A_330, %dma_wait3A_331, %dma_wait3A_332] : memref<3x1x128x128xf32, #tpu.memory_space<vmem>> -> memref<1x1x128x128xf32, #tpu.memory_space<vmem>>
    %dma_wait3A_334 = tpu.memref_squeeze %dma_wait3A_333 : memref<1x1x128x128xf32, #tpu.memory_space<vmem>> -> memref<1x128x128xf32, #tpu.memory_space<vmem>>
    %dma_wait3A_335 = arith.constant 0 : i32
    %dma_wait3A_336 = arith.constant 0 : i32
    %dma_wait3A_337 = arith.constant 0 : i32
    %dma_wait3A_338 = tpu.memref_slice %arg4[%dma_wait3A_335, %dma_wait3A_336, %dma_wait3A_337] : memref<25600x128x128xf32, #tpu.memory_space<hbm>> -> memref<1x128x128xf32, #tpu.memory_space<hbm>>
    %dma_wait3A_339 = arith.constant 0 : i32
    %dma_wait3A_340 = arith.constant 0 : i32
    %dma_wait3A_341 = arith.constant 0 : i32
    %dma_wait3A_342 = tpu.memref_slice %arg4[%dma_wait3A_339, %dma_wait3A_340, %dma_wait3A_341] : memref<25600x128x128xf32, #tpu.memory_space<hbm>> -> memref<1x128x128xf32, #tpu.memory_space<hbm>>
    %dma_wait3A_343 = arith.constant 0 : i32
    %dma_wait3A_344 = arith.constant 0 : i32
    %dma_wait3A_345 = arith.constant 0 : i32
    %dma_wait3A_346 = tpu.memref_slice %arg6[%dma_wait3A_329, %dma_wait3A_343, %dma_wait3A_344, %dma_wait3A_345] : memref<3x1x128x128xf32, #tpu.memory_space<vmem>> -> memref<1x1x128x128xf32, #tpu.memory_space<vmem>>
    %dma_wait3A_347 = tpu.memref_squeeze %dma_wait3A_346 : memref<1x1x128x128xf32, #tpu.memory_space<vmem>> -> memref<1x128x128xf32, #tpu.memory_space<vmem>>
    tpu.wait_dma2 semaphore(%arg10 : memref<!tpu.dma_semaphore, #tpu.memory_space<semaphore_mem>>) src(%dma_wait3A_347 : memref<1x128x128xf32, #tpu.memory_space<vmem>>) dst(%dma_wait3A_342 : memref<1x128x128xf32, #tpu.memory_space<hbm>>)
    %dma_wait3A_348 = arith.constant 1 : i32
    %dma_wait3A_349 = arith.constant 0 : i32
    %dma_wait3A_350 = arith.constant 0 : i32
    %dma_wait3A_351 = tpu.memref_slice %arg5[%dma_wait3A_348, %dma_wait3A_349, %dma_wait3A_350] : memref<3x1x128xi32, #tpu.memory_space<vmem>> -> memref<1x1x128xi32, #tpu.memory_space<vmem>>
    %dma_wait3A_352 = tpu.memref_squeeze %dma_wait3A_351 : memref<1x1x128xi32, #tpu.memory_space<vmem>> -> memref<1x128xi32, #tpu.memory_space<vmem>>
    %dma_wait3A_353 = arith.constant 0 : i32
    %dma_wait3A_354 = arith.constant 0 : i32
    %dma_wait3A_355 = tpu.memref_slice %arg2[%dma_wait3A_353, %dma_wait3A_354] : memref<25600x128xi32, #tpu.memory_space<hbm>> -> memref<1x128xi32, #tpu.memory_space<hbm>>
    %dma_wait3A_356 = arith.constant 0 : i32
    %dma_wait3A_357 = arith.constant 0 : i32
    %dma_wait3A_358 = tpu.memref_slice %arg5[%dma_wait3A_348, %dma_wait3A_356, %dma_wait3A_357] : memref<3x1x128xi32, #tpu.memory_space<vmem>> -> memref<1x1x128xi32, #tpu.memory_space<vmem>>
    %dma_wait3A_359 = tpu.memref_squeeze %dma_wait3A_358 : memref<1x1x128xi32, #tpu.memory_space<vmem>> -> memref<1x128xi32, #tpu.memory_space<vmem>>
    %dma_wait3A_360 = arith.constant 0 : i32
    %dma_wait3A_361 = arith.constant 0 : i32
    %dma_wait3A_362 = tpu.memref_slice %arg2[%dma_wait3A_360, %dma_wait3A_361] : memref<25600x128xi32, #tpu.memory_space<hbm>> -> memref<1x128xi32, #tpu.memory_space<hbm>>
    tpu.wait_dma2 semaphore(%arg8 : memref<!tpu.dma_semaphore, #tpu.memory_space<semaphore_mem>>) src(%dma_wait3A_362 : memref<1x128xi32, #tpu.memory_space<hbm>>) dst(%dma_wait3A_359 : memref<1x128xi32, #tpu.memory_space<vmem>>)
    %dma_wait3A_363 = arith.constant 2 : i32
    %dma_wait3A_364 = arith.constant 0 : i32
    %dma_wait3A_365 = arith.constant 0 : i32
    %dma_wait3A_366 = arith.constant 0 : i32
    %dma_wait3A_367 = tpu.memref_slice %arg6[%dma_wait3A_363, %dma_wait3A_364, %dma_wait3A_365, %dma_wait3A_366] : memref<3x1x128x128xf32, #tpu.memory_space<vmem>> -> memref<1x1x128x128xf32, #tpu.memory_space<vmem>>
    %dma_wait3A_368 = tpu.memref_squeeze %dma_wait3A_367 : memref<1x1x128x128xf32, #tpu.memory_space<vmem>> -> memref<1x128x128xf32, #tpu.memory_space<vmem>>
    %dma_wait3A_369 = arith.constant 0 : i32
    %dma_wait3A_370 = arith.constant 0 : i32
    %dma_wait3A_371 = arith.constant 0 : i32
    %dma_wait3A_372 = tpu.memref_slice %arg4[%dma_wait3A_369, %dma_wait3A_370, %dma_wait3A_371] : memref<25600x128x128xf32, #tpu.memory_space<hbm>> -> memref<1x128x128xf32, #tpu.memory_space<hbm>>
    %dma_wait3A_373 = arith.constant 0 : i32
    %dma_wait3A_374 = arith.constant 0 : i32
    %dma_wait3A_375 = arith.constant 0 : i32
    %dma_wait3A_376 = tpu.memref_slice %arg4[%dma_wait3A_373, %dma_wait3A_374, %dma_wait3A_375] : memref<25600x128x128xf32, #tpu.memory_space<hbm>> -> memref<1x128x128xf32, #tpu.memory_space<hbm>>
    %dma_wait3A_377 = arith.constant 0 : i32
    %dma_wait3A_378 = arith.constant 0 : i32
    %dma_wait3A_379 = arith.constant 0 : i32
    %dma_wait3A_380 = tpu.memref_slice %arg6[%dma_wait3A_363, %dma_wait3A_377, %dma_wait3A_378, %dma_wait3A_379] : memref<3x1x128x128xf32, #tpu.memory_space<vmem>> -> memref<1x1x128x128xf32, #tpu.memory_space<vmem>>
    %dma_wait3A_381 = tpu.memref_squeeze %dma_wait3A_380 : memref<1x1x128x128xf32, #tpu.memory_space<vmem>> -> memref<1x128x128xf32, #tpu.memory_space<vmem>>
    tpu.wait_dma2 semaphore(%arg10 : memref<!tpu.dma_semaphore, #tpu.memory_space<semaphore_mem>>) src(%dma_wait3A_381 : memref<1x128x128xf32, #tpu.memory_space<vmem>>) dst(%dma_wait3A_376 : memref<1x128x128xf32, #tpu.memory_space<hbm>>)
    %dma_wait3A_382 = arith.constant 2 : i32
    %dma_wait3A_383 = arith.constant 0 : i32
    %dma_wait3A_384 = arith.constant 0 : i32
    %dma_wait3A_385 = tpu.memref_slice %arg5[%dma_wait3A_382, %dma_wait3A_383, %dma_wait3A_384] : memref<3x1x128xi32, #tpu.memory_space<vmem>> -> memref<1x1x128xi32, #tpu.memory_space<vmem>>
    %dma_wait3A_386 = tpu.memref_squeeze %dma_wait3A_385 : memref<1x1x128xi32, #tpu.memory_space<vmem>> -> memref<1x128xi32, #tpu.memory_space<vmem>>
    %dma_wait3A_387 = arith.constant 0 : i32
    %dma_wait3A_388 = arith.constant 0 : i32
    %dma_wait3A_389 = tpu.memref_slice %arg2[%dma_wait3A_387, %dma_wait3A_388] : memref<25600x128xi32, #tpu.memory_space<hbm>> -> memref<1x128xi32, #tpu.memory_space<hbm>>
    %dma_wait3A_390 = arith.constant 0 : i32
    %dma_wait3A_391 = arith.constant 0 : i32
    %dma_wait3A_392 = tpu.memref_slice %arg5[%dma_wait3A_382, %dma_wait3A_390, %dma_wait3A_391] : memref<3x1x128xi32, #tpu.memory_space<vmem>> -> memref<1x1x128xi32, #tpu.memory_space<vmem>>
    %dma_wait3A_393 = tpu.memref_squeeze %dma_wait3A_392 : memref<1x1x128xi32, #tpu.memory_space<vmem>> -> memref<1x128xi32, #tpu.memory_space<vmem>>
    %dma_wait3A_394 = arith.constant 0 : i32
    %dma_wait3A_395 = arith.constant 0 : i32
    %dma_wait3A_396 = tpu.memref_slice %arg2[%dma_wait3A_394, %dma_wait3A_395] : memref<25600x128xi32, #tpu.memory_space<hbm>> -> memref<1x128xi32, #tpu.memory_space<hbm>>
    tpu.wait_dma2 semaphore(%arg8 : memref<!tpu.dma_semaphore, #tpu.memory_space<semaphore_mem>>) src(%dma_wait3A_396 : memref<1x128xi32, #tpu.memory_space<hbm>>) dst(%dma_wait3A_393 : memref<1x128xi32, #tpu.memory_space<vmem>>)
    return
  }
}

</mosaic_0001>

<sc_bundles>
// kernel: kernel.3.cloned.1.call-start
scs
__scs_entry_jumppad:
0x0: {  	(pc) =	sbr.rel $0x88, $3  }
0x1: {  	(tag) =	ssettag $0x0;
	lr =	simm.s32 $0x1  }
0x2: {  	[smem:$0x3F9F] =	sst lr;
	_ =	strace $0xD0000000  }
0x3: {  	_ = 	snop  }
0x4: {  	_ = 	snop  }
0x5: {  	_ = 	snop  }
0x6: {  	_ = 	snop  }
0x7: {  	_ = 	snop  }
__scs_overlays_trampoline_lowered:
0x8: {  	[smem:$0x3FAE] =	sst s0  }
0x9: {  	[smem:$0x3FAF] =	sst s1  }
0xa: {  	[smem:$0x3FB0] =	sst s2  }
0xb: {  	[smem:$0x3FB1] =	sst s3  }
0xc: {  	[smem:$0x3FB2] =	sst s4  }
0xd: {  	[smem:$0x3FB3] =	sst s5  }
0xe: {  	[smem:$0x3FB4] =	sst s6  }
0xf: {  	[smem:$0x3FB5] =	sst s7  }
0x10: {  	[smem:$0x3FB6] =	sst s8  }
0x11: {  	[smem:$0x3FB7] =	sst s9;
	s0 =	simm.s32 @!p0 $0x0  }
0x12: {  	s1 =	sld [smem:$0x3F9D];
	s0 =	simm.s32 @p0 $0x1  }
0x13: {  	[smem:$0x3FB8] =	sst s0;
	s0 =	simm.s32 @!p1 $0x0  }
0x14: {  	s2 =	sld [smem:$0x3F9C];
	s0 =	simm.s32 @p1 $0x1  }
0x15: {  	[smem:$0x3FB9] =	sst s0;
	s0 =	simm.s32 @!p2 $0x0  }
0x16: {  	s3 =	sld [smem:$0x3FDB];
	s0 =	simm.s32 @p2 $0x1  }
0x17: {  	s4 =	simm.s32 $0x1BF5;
	[smem:$0x3FBB] =	sst s0  }
0x18: {  	s0 =	sld [smem:$0x3F9E];
	_ =	swait.ge [sflag:s4], $0x0  }
0x19: {  	s7 =	sld [smem:$0x3F9F]  }
0x1a: {  	s8 =	sadd.s32 $0xFFFFE003, lr  }
0x1b: {  	s9 =	sadd.s32 $0xFFFFFEF7, lr;
	s5 =	simm.s32 $0xFFFFFFFF;
	p2 =	slt.u32 s8, $0xFFFFF086  }
0x1c: {  	p1 =	slt.u32 s9, $0xF7A;
	s5 =	simm.s32 @!p2 $0x0  }
0x1d: {  	s5 =	simm.s32 @p1 $0x1;
	p0 =	seq.s32 s7, s2  }
0x1e: {  	s7 =	smul.u32 @!p0 $0xF7A, s2;
	p2 =	seq.s32 @!p0 s5, $0x0  }
0x1f: {  	s9 =	smul.u32 $0xF7A, s1;
	s8 =	simm.s32 @!p0 $0x1BF5;
	p2 =	por !p2, p0  }
0x20: {  	[sflag:s8] =	ssyncset.s32 @!p0 $0xFFFFF086;
	s6 =	sadd.s32 @!p0 s3, s7;
	s7 =	simm.s32 @!p0 $0x108  }
0x21: {  	s3 =	sadd.s32 s3, s9;
	s6 =	sadd.s32 @!p0 $0x88, s6;
	s7 =	simm.s32 @p2 $0x1082  }
0x22: {  	[simem:s7], [sflag:s8] =	dma.local @!p0 [hbm:s6], $0xF7A  }
0x23: {  	s9 =	sor.u32 $0xD0000000, s2;
	s6 =	simm.s32 $0x108;
	_ =	swait.ge @!p0 [sflag:s8], $0x0  }
0x24: {  	s3 =	sadd.s32 $0x88, s3;
	s6 =	simm.s32 @!p1 $0x1082;
	[sflag:s4] =	ssyncset.s32 $0xFFFFF086  }
0x25: {  	[simem:s6], [sflag:s4] =	dma.local [hbm:s3], $0xF7A  }
0x26: {  	[smem:$0x3F9F] =	sst s1;
	(tag) =	ssettag s2;
	_ =	strace s9  }
0x27: {  	s1 =	sld [smem:$0x3FAF]  }
0x28: {  	s2 =	sld [smem:$0x3FB0]  }
0x29: {  	s4 =	sld [smem:$0x3FB2]  }
0x2a: {  	p0 =	seq.s32 s5, $0x0;
	s5 =	sld [smem:$0x3FB3]  }
0x2b: {  	s6 =	sld [smem:$0x3FB4]  }
0x2c: {  	s7 =	sld [smem:$0x3FB5]  }
0x2d: {  	s3 =	simm.s32 $0x108;
	s8 =	sld [smem:$0x3FB6]  }
0x2e: {  	s3 =	simm.s32 @!p0 $0x1082;
	s9 =	sld [smem:$0x3FB7]  }
0x2f: {  	lr =	sadd.s32 s0, s3;
	s0 =	sld [smem:$0x3FAE]  }
0x30: {  	s3 =	sld [smem:$0x3FB1]  }
0x31: {  	[smem:$0x3FBA] =	sst s10  }
0x32: {  	s10 =	sld [smem:$0x3FB8];
	_ =	sdelay $0x3  }
0x33: {  	p0 =	seq.s32 s10, $0x1;
	s10 =	sld [smem:$0x3FBA];
	_ =	sdelay $0x3  }
0x34: {  	[smem:$0x3FBA] =	sst s10  }
0x35: {  	s10 =	sld [smem:$0x3FB9];
	_ =	sdelay $0x3  }
0x36: {  	p1 =	seq.s32 s10, $0x1;
	s10 =	sld [smem:$0x3FBA];
	_ =	sdelay $0x3  }
0x37: {  	[smem:$0x3FBA] =	sst s10  }
0x38: {  	s10 =	sld [smem:$0x3FBB]  }
0x39: {  	_ = 	snop;
	(pc) =	sbr.ind lr, $3  }
0x3a: {  	_ = 	snop  }
0x3b: {  	_ = 	snop  }
0x3c: {  	p2 =	seq.s32 s10, $0x1;
	s10 =	sld [smem:$0x3FBA]  }
0x3d: {  	_ =	shalt  }
0x3e: {  	_ =	shalt  }
0x3f: {  	_ =	shalt  }
0x40: {  	_ =	shalt  }
0x41: {  	_ =	shalt  }
0x42: {  	_ =	shalt  }
0x43: {  	_ =	shalt  }
0x44: {  	_ =	shalt  }
0x45: {  	_ =	shalt  }
0x46: {  	_ =	shalt  }
0x47: {  	_ =	shalt  }
0x48: {  	_ =	shalt  }
0x49: {  	_ =	shalt  }
0x4a: {  	_ =	shalt  }
0x4b: {  	_ =	shalt  }
0x4c: {  	_ =	shalt  }
0x4d: {  	_ =	shalt  }
0x4e: {  	_ =	shalt  }
0x4f: {  	_ =	shalt  }
0x50: {  	_ =	shalt  }
0x51: {  	_ =	shalt  }
0x52: {  	_ =	shalt  }
0x53: {  	_ =	shalt  }
0x54: {  	_ =	shalt  }
0x55: {  	_ =	shalt  }
0x56: {  	_ =	shalt  }
0x57: {  	_ =	shalt  }
0x58: {  	_ =	shalt  }
0x59: {  	_ =	shalt  }
0x5a: {  	_ =	shalt  }
0x5b: {  	_ =	shalt  }
0x5c: {  	_ =	shalt  }
0x5d: {  	_ =	shalt  }
0x5e: {  	_ =	shalt  }
0x5f: {  	_ =	shalt  }
0x60: {  	_ =	shalt  }
0x61: {  	_ =	shalt  }
0x62: {  	_ =	shalt  }
0x63: {  	_ =	shalt  }
0x64: {  	_ =	shalt  }
0x65: {  	_ =	shalt  }
0x66: {  	_ =	shalt  }
0x67: {  	_ =	shalt  }
0x68: {  	_ =	shalt  }
0x69: {  	_ =	shalt  }
0x6a: {  	_ =	shalt  }
0x6b: {  	_ =	shalt  }
0x6c: {  	_ =	shalt  }
0x6d: {  	_ =	shalt  }
0x6e: {  	_ =	shalt  }
0x6f: {  	_ =	shalt  }
0x70: {  	_ =	shalt  }
0x71: {  	_ =	shalt  }
0x72: {  	_ =	shalt  }
0x73: {  	_ =	shalt  }
0x74: {  	_ =	shalt  }
0x75: {  	_ =	shalt  }
0x76: {  	_ =	shalt  }
0x77: {  	_ =	shalt  }
0x78: {  	_ =	shalt  }
0x79: {  	_ =	shalt  }
0x7a: {  	_ =	shalt  }
0x7b: {  	_ =	shalt  }
0x7c: {  	_ =	shalt  }
0x7d: {  	_ =	shalt  }
0x7e: {  	_ =	shalt  }
0x7f: {  	_ =	shalt  }
0x80: {  	_ =	shalt  }
0x81: {  	_ =	shalt  }
0x82: {  	_ =	shalt  }
0x83: {  	_ =	shalt  }
0x84: {  	_ =	shalt  }
0x85: {  	_ =	shalt  }
0x86: {  	_ =	shalt  }
0x87: {  	_ =	shalt  }
.Lfunc_end0:
.L_simem_size_0:
called_computation_lowered:
.L_overlay_start_0:
0x88: {  	s2 =	sld [smem:$0x3FD9]  }
0x89: {  	s3 =	sld [smem:$0x3FFE];
	_ =	sdelay $0x1  }
0x8a: {  	s1 =	srdreg.scid  }
0x8b: {  	s0 =	sand.u32 $0x1, s1  }
0x8c: {  	s17 =	sshll.u32 s0, $0xA;
	s2 =	sadd.s32 s3, s2  }
0x8d: {  	s2 =	sadd.s32 s2, s17  }
0x8e: {  	[smem:$0x3FC6] =	sst s2  }
0x8f: {  	_ = 	snop  }
0x90: {  	s2 =	sld [smem:$0x3FC8]  }
0x91: {  	s18 =	sld [smem:$0x3FD0];
	(tm) =	ssettm $0x1  }
0x92: {  	s4 =	sld [smem:$0x3FFB];
	_ =	sdelay $0x3  }
0x93: {  	_ =	strace s4  }
0x94: {  	s4 =	sld [smem:$0x3FFC];
	_ =	sdelay $0x3  }
0x95: {  	_ =	strace s4  }
0x96: {  	s4 =	sld [smem:$0x3FFD];
	_ =	sdelay $0x3  }
0x97: {  	_ =	strace s4  }
0x98: {  	_ =	strace $0x8FFFFFFF  }
0x99: {  	s19 =	sld [smem:$0x3FDB];
	_ =	sdelay $0x1  }
0x9a: {  	s5 =	simm.s32 $_scs_section_size  }
0x9b: {  	s6 =	simm.s32 $_size__tile_overlayer_lowered;
	s7 =	simm.s32 $_tile_overlayer_lowered  }
0x9c: {  	s22 =	simm.s32 $0x1BFF;
	s21 =	sshll.u32 s7, $0x1;
	s4 =	sadd.s32 s5, s19  }
0x9d: {  	s8 =	simm.s32 $0x0;
	s20 =	sshll.u32 s6, $0x1;
	s6 =	sadd.s32 s21, s4  }
0x9e: {  	[timem:s8], [sflag:s22] =	dma.local [hbm:s6], s20  }
0x9f: {  	_ =	swait.ge [sflag:s22], s20  }
0xa0: {  	s5 =	ssub.s32 $0x0, s20;
	[sflag:s22] =	ssyncset.done $0x0  }
0xa1: {  	[sflag:s22] =	ssyncadd.s32 s5;
	_ =	sdelay $0x1  }
0xa2: {  	s23 =	simm.s32 $0x1B8B  }
0xa3: {  	_ =	swait.ge [sflag:s23], $0x1  }
0xa4: {  	[sflag:s23] =	ssyncset.done $0x0  }
0xa5: {  	s25 =	simm.s32 $0x1B8E;
	s24 =	sld [smem:$0x3FFE];
	[sflag:s23] =	ssyncadd.s32 $0xFFFFFFFF  }
0xa6: {  	s26 =	simm.s32 $execute0_lowered;
	[smem:$0x3FD2] =	sst s25  }
0xa7: {  	s6 =	sshll.u32 s26, $0x1;
	_ =	strace $0x80000046;
	[dreg:$0x1] =	wrdreg $0xFFFFFFFF  }
0xa8: {  	s28 =	simm.s32 $_size_execute0_lowered;
	s4 =	sadd.s32 s4, s6;
	[dreg:$0x0] =	wrdreg $0x0  }
0xa9: {  	s6 =	sshll.u32 s28, $0x1;
	[dreg:$0x2] =	wrdreg s4  }
0xaa: {  	[dreg:$0x3] =	wrdreg s6  }
0xab: {  	[dreg:$0x4] =	wrdreg $0xC0  }
0xac: {  	_ =	task [dreg:s8], $0x5FFFF  }
0xad: {  	[dreg:$0x1] =	wrdreg $0xFFFFFFFF  }
0xae: {  	[dreg:$0x0] =	wrdreg $0x60  }
0xaf: {  	[dreg:$0x2] =	wrdreg s24  }
0xb0: {  	[dreg:$0x3] =	wrdreg s2  }
0xb1: {  	[dreg:$0x4] =	wrdreg s18  }
0xb2: {  	[dreg:$0x5] =	wrdreg $0xC1800  }
0xb3: {  	[dreg:$0x6] =	wrdreg $0x9  }
0xb4: {  	_ =	task.clear_ibuf [dreg:s8], $0x7FFFF;
	_ =	strace $0x90000046  }
0xb5: {  	s29 =	simm.s32 $0x9;
	_ =	strace $0x80000048  }
0xb6: {  	_ =	swait.ge [sflag:s29], $0x1  }
0xb7: {  	[sflag:s29] =	ssyncadd.s32 $0xFFFFFFFF  }
0xb8: {  	_ =	strace $0x90000048  }
0xb9: {  	_ =	sfence  }
0xba: {  	s30 =	sld [smem:$0x0];
	_ =	sdelay $0x2  }
0xbb: {  	s31 =	sshll.u32 s1, $0xD;
	s1 =	sshrl.u32 s1, $0x2  }
0xbc: {  	s3 =	sand.u32 $0x4000, s31;
	s1 =	sadd.s32 s1, s30  }
0xbd: {  	s0 =	sor.u32 s3, s0;
	s1 =	sshll.u32 s1, $0x11  }
0xbe: {  	s0 =	sor.u32 s1, s0  }
0xbf: {  	s0 =	sadd.s32 $0x8F2B, s0  }
0xc0: {  	[sflag:s0] =	ssyncadd.remote.s32 $0x1  }
0xc1: {  	_ =	sfence.sel $0xFFFF  }
0xc2: {  	[dreg:$0x0] =	wrdreg $0xFFFFFFFF;
	(pc) =	sbr.abs _section_cstart, $3  }
0xc3: {  	[dreg:$0x1] =	wrdreg $0xFFFFFFFF  }
0xc4: {  	_ =	task.clear_ibuf [dreg:s8], $0x2FFFF;
	_ =	strace $0x9FFFFFFF  }
0xc5: {  	(tm) =	ssettm $0x7FFFFFFF  }
tec
execute0_lowered:
.L_overlay_start_1:
0x0: {  	(tag) =	ssettag $0x1  }
0x1: {  	s0 =	rddreg [dreg:$0x0]  }
0x2: {  	s1 =	rddreg [dreg:$0x2];
	s3 =	srdreg.scid  }
0x3: {  	s15 =	stileid.u32;
	s2 =	rddreg [dreg:$0x3]  }
0x4: {  	s18 =	simm.s32 $0x80;
	s19 =	simm.s32 $0x100;
	s20 =	simm.s32 $0x1  }
0x5: {  	s10 =	sand.u32 $0x1, s3;
	s23 =	sshll.u32 s15, $0x1;
	s14 =	smul.u32 $0x640, s15  }
0x6: {  	s21 =	simm.s32 $0x180;
	s7 =	sor.u32 s10, s23;
	s29 =	smul.u32 $0x320, s10  }
0x7: {  	s22 =	simm.s32 $0x4180;
	s3 =	simm.s32 $0x0;
	s11 =	smul.u32 $0x320, s7  }
0x8: {  	s4 =	sadd.s32 $0x400, s0;
	p0 =	sne.s32 s15, $0x0;
	s8 =	smul.u32 $0x3200, s7  }
0x9: {  	s5 =	ssub.s32 $0x2, s10;
	[smem:$0x7FF] =	sst s3;
	s25 =	smul.u32 $0x190000, s7  }
0xa: {  	s23 =	simm.s32 $0x2;
	s6 =	sshrl.u32 s5, $0x1;
	s12 =	smul.u32 $0xC80000, s7  }
0xb: {  	_ =	strace $0x80000047;
	s24 =	ssub.s32 s5, s6;
	s5 =	sadd.s32 s4, s8  }
0xc: {  	s9 =	sshll.u32 s11, $0x4;
	s8 =	sadd.s32 s1, s25;
	s12 =	sshrl.u32 s12, $0x3  }
0xd: {  	s13 =	smin.u32 s11, $0x60DE;
	s17 =	smin.u32 s11, $0x60DD;
	s15 =	smax.u32 s24, $0x1  }
0xe: {  	s25 =	simm.s32 $0x3;
	s26 =	sadd.s32 $0x10, s5;
	s9 =	sadd.s32 s9, s4  }
0xf: {  	s7 =	sadd.s32 $0x20, s5;
	s16 =	sadd.s32 s1, s12;
	s28 =	sshll.u32 s13, $0x4  }
0x10: {  	s17 =	sshll.u32 s17, $0x4;
	[dreg:$0x5] =	wrdreg s26;
	s12 =	sadd.s32 s28, s4  }
0x11: {  	s9 =	sadd.s32 $0x30, s9;
	s11 =	sadd.s32 $0x3210, s12;
	s12 =	sadd.s32 s29, s14  }
0x12: {  	s10 =	sadd.s32 $0x18F000, s16;
	s13 =	sadd.s32 $0x18F800, s16;
	s31 =	sshll.u32 s12, $0xB  }
0x13: {  	s30 =	sadd.s32 s17, s4;
	s17 =	sshrl.u32 @!p0 s2, $0x3;
	s1 =	sadd.s32 s31, s1  }
0x14: {  	s26 =	simm.s32 $0x0;
	s14 =	sadd.s32 $0x3220, s30;
	s16 =	sadd.s32 $0x800, s1  }
.LBB2_1:
0x15: {  	s0 =	simm.s32 @!p0 $0x1C04;
	s1 =	rddreg [dreg:$0x1]  }
0x16: {  	[spmem:s17], [sflag:s0] =	dma.local @!p0 [hbm:s1], $0x20000  }
0x17: {  	s0 =	simm.s32 @!p0 $0x4  }
0x18: {  	_ =	swait.ge @!p0 [sflag:s0], $0x20000  }
0x19: {  	[sflag:s0] =	ssyncset.done @!p0 $0x0  }
0x1a: {  	[sflag:s0] =	ssyncadd.s32 @!p0 $0xFFFE0000  }
0x1b: {  	[bflag:$0x0] =	sbarrier.arrive $0xFFFF  }
0x1c: {  	[tilespmem:s3], [sflag:$0x1] =	stream.linear.gather [hbm4b:s5+s3], $0x80, $0x38;
	[tilespmem:$0x1C180] =	vst v63  }
0x1d: {  	s1 =	rddreg [dreg:$0x5]  }
0x1e: {  	[tilespmem:s18], [sflag:$0x1] =	stream.linear.gather [hbm4b:s1+s3], $0x80, $0x38;
	[tilespmem:$0x1C180] =	vst v63  }
0x1f: {  	_ = 	snop  }
0x20: {  	[tilespmem:s19], [sflag:$0x1] =	stream.linear.gather [hbm4b:s7+s3], $0x80, $0x38;
	[tilespmem:$0x1C180] =	vst v63  }
0x21: {  	_ =	swait.ge [sflag:s20], $0x80  }
0x22: {  	[sflag:s20] =	ssyncset.done $0x0  }
0x23: {  	[sflag:s20] =	ssyncadd.s32 $0xFFFFFF80  }
0x24: {  	[tilespmem:s21], [sflag:$0x2] =	stream.indirect.gather [spmem:s2], $0x80, s3, s18, $0xb8;
	[tilespmem:$0x1C180] =	vst v63  }
0x25: {  	_ =	swait.ge [sflag:s20], $0x80  }
0x26: {  	[sflag:s20] =	ssyncset.done $0x0  }
0x27: {  	[sflag:s20] =	ssyncadd.s32 $0xFFFFFF80  }
0x28: {  	[tilespmem:s22], [sflag:$0x2] =	stream.indirect.gather [spmem:s2], $0x80, s18, s18, $0xb8;
	[tilespmem:$0x1C180] =	vst v63  }
0x29: {  	_ =	swait.ge [sflag:s23], $0x4000  }
0x2a: {  	s6 =	simm.s32 $0x1;
	[sflag:s23] =	ssyncset.done $0x0  }
0x2b: {  	s0 =	smul.u32 $0xAAAB, s6;
	[sflag:s23] =	ssyncadd.s32 $0xFFFFC000  }
0x2c: {  	[hbm4b:s8+s3] =	stream.linear.scatter [tilespmem:s21], [sflag:$0x3], $0x4000, $0x38;
	[tilespmem:$0x1C180] =	vst v63  }
0x2d: {  	s0 =	sshrl.u32 s0, $0x11  }
0x2e: {  	[tilespmem:s3], [sflag:$0x1] =	stream.linear.gather [hbm4b:s9+s3], $0x80, $0x38;
	[tilespmem:$0x1C180] =	vst v63  }
0x2f: {  	s28 =	sadd.s32 $0x4, s12;
	s0 =	smul.u32 $0x3, s0;
	_ =	swait.ge [sflag:s20], $0x80  }
0x30: {  	s24 =	simm.s32 $0x8180;
	p1 =	slt.s32 s28, $0x63FF;
	[sflag:s20] =	ssyncset.done $0x0  }
0x31: {  	s28 =	simm.s32 @!p1 $0x63FF;
	s0 =	ssub.s32 $0x1, s0;
	[sflag:s20] =	ssyncadd.s32 $0xFFFFFF80  }
0x32: {  	[tilespmem:s24], [sflag:$0x2] =	stream.indirect.gather [spmem:s2], $0x80, s19, s18, $0xb8;
	[tilespmem:$0x1C180] =	vst v63  }
0x33: {  	s28 =	sshll.u32 s28, $0x4;
	s0 =	sand.u32 $0xFFFF, s0;
	_ =	swait.ge [sflag:s23], $0x4000  }
0x34: {  	s6 =	simm.s32 $0x3;
	s29 =	sshll.u32 s0, $0xE;
	[sflag:s23] =	ssyncset.done $0x0  }
0x35: {  	s1 =	sand.u32 $0xFFFF, s6;
	s29 =	sor.u32 $0x180, s29;
	[sflag:s23] =	ssyncadd.s32 $0xFFFFC000  }
0x36: {  	[hbm4b:s16+s3] =	stream.linear.scatter [tilespmem:s29], [sflag:$0x3], $0x4000, $0x38;
	[tilespmem:$0x1C180] =	vst v63  }
0x37: {  	s28 =	sadd.s32 s4, s28;
	s1 =	smul.u32 $0xAAAB, s1;
	s0 =	sshll.u32 s0, $0x7  }
0x38: {  	[tilespmem:s0], [sflag:$0x1] =	stream.linear.gather [hbm4b:s28+s3], $0x80, $0x38;
	[tilespmem:$0x1C180] =	vst v63  }
0x39: {  	s24 =	sshrl.u32 s1, $0x11;
	_ =	swait.ge [sflag:s20], $0x80  }
0x3a: {  	s31 =	simm.s32 $0x2;
	s0 =	smul.u32 $0x3, s24;
	[sflag:s20] =	ssyncset.done $0x0  }
0x3b: {  	s30 =	simm.s32 $0x6;
	s1 =	smul.u32 $0xAAAB, s31;
	[sflag:s20] =	ssyncadd.s32 $0xFFFFFF80  }
0x3c: {  	s29 =	simm.s32 $0x5;
	s0 =	ssub.s32 $0x3, s0;
	_ =	swait.ge [sflag:s25], $0x4000  }
0x3d: {  	s28 =	sadd.s32 $0x800, s16;
	s0 =	sand.u32 $0xFFFF, s0;
	[sflag:s25] =	ssyncset.done $0x0  }
.LBB2_2:
0x3e: {  	s1 =	sshrl.u32 s1, $0x11  }
0x3f: {  	s24 =	sshll.u32 s0, $0x7;
	s0 =	sshll.u32 s0, $0xE;
	s6 =	smov.u32 s30  }
0x40: {  	s1 =	smul.u32 $0x3, s1;
	s0 =	sor.u32 $0x180, s0;
	[sflag:s25] =	ssyncadd.s32 $0xFFFFC000  }
0x41: {  	[tilespmem:s0], [sflag:$0x2] =	stream.indirect.gather [spmem:s2], $0x80, s24, s18, $0xb8;
	[tilespmem:$0x1C180] =	vst v63  }
0x42: {  	s24 =	sadd.s32 $0x1, s30;
	s0 =	sadd.s32 $0xFFFFFFFF, s29;
	s1 =	ssub.s32 s31, s1  }
0x43: {  	s29 =	sadd.s32 s29, s12;
	_ =	swait.ge [sflag:s23], $0x4000;
	s1 =	sand.u32 $0xFFFF, s1  }
0x44: {  	p1 =	slt.s32 s29, $0x63FF;
	[sflag:s23] =	ssyncset.done $0x0;
	s31 =	sshll.u32 s1, $0xE  }
0x45: {  	s29 =	simm.s32 @!p1 $0x63FF;
	[sflag:s23] =	ssyncadd.s32 $0xFFFFC000;
	s31 =	sor.u32 $0x180, s31  }
0x46: {  	[hbm4b:s28+s3] =	stream.linear.scatter [tilespmem:s31], [sflag:$0x3], $0x4000, $0x38;
	[tilespmem:$0x1C180] =	vst v63  }
0x47: {  	s29 =	sshll.u32 s29, $0x4;
	s1 =	sshll.u32 s1, $0x7;
	s31 =	sand.u32 $0xFFFF, s0  }
0x48: {  	p1 =	sne.s32 s30, $0x320;
	s29 =	sadd.s32 s4, s29;
	s30 =	smul.u32 $0xAAAB, s31  }
0x49: {  	[tilespmem:s1], [sflag:$0x1] =	stream.linear.gather [hbm4b:s29+s3], $0x80, $0x38;
	[tilespmem:$0x1C180] =	vst v63  }
.Ltmp0:
0x4a: {  	s1 =	sshrl.u32 s30, $0x11;
	_ =	swait.ge [sflag:s20], $0x80;
	(pc) =	sbr.rel @p1 .LBB2_2-.Ltmp0, $4  }
0x4b: {  	s29 =	smov.u32 s6;
	s30 =	smul.u32 $0x3, s1;
	[sflag:s20] =	ssyncset.done $0x0  }
0x4c: {  	s28 =	sadd.s32 $0x800, s28;
	s31 =	sadd.s32 $0xFFFFFFFD, s29;
	[sflag:s20] =	ssyncadd.s32 $0xFFFFFF80  }
0x4d: {  	s1 =	smul.u32 $0xAAAB, s31;
	s0 =	ssub.s32 s0, s30;
	_ =	swait.ge [sflag:s25], $0x4000  }
0x4e: {  	s30 =	smov.u32 s24;
	s0 =	sand.u32 $0xFFFF, s0;
	[sflag:s25] =	ssyncset.done $0x0  }
0x4f: {  	s1 =	sshrl.u32 s1, $0x11;
	s6 =	sshll.u32 s0, $0x7;
	s24 =	sshll.u32 s0, $0xE  }
0x50: {  	[sflag:s25] =	ssyncadd.s32 $0xFFFFC000;
	s1 =	smul.u32 $0x3, s1;
	s0 =	sor.u32 $0x180, s24  }
0x51: {  	[tilespmem:s0], [sflag:$0x2] =	stream.indirect.gather [spmem:s2], $0x80, s6, s18, $0xb8;
	[tilespmem:$0x1C180] =	vst v63  }
0x52: {  	s0 =	sadd.s32 $0xFFFFFFFF, s29  }
0x53: {  	s6 =	sadd.s32 s29, s12;
	s1 =	ssub.s32 s31, s1;
	_ =	swait.ge [sflag:s23], $0x4000  }
0x54: {  	p1 =	slt.s32 s6, $0x63FF;
	s29 =	sand.u32 $0xFFFF, s0;
	s1 =	sand.u32 $0xFFFF, s1  }
0x55: {  	[sflag:s23] =	ssyncset.done $0x0;
	s6 =	simm.s32 @!p1 $0x63FF;
	s24 =	sshll.u32 s1, $0xE  }
0x56: {  	[sflag:s23] =	ssyncadd.s32 $0xFFFFC000;
	s6 =	sshll.u32 s6, $0x4;
	s24 =	sor.u32 $0x180, s24  }
0x57: {  	[hbm4b:s28+s3] =	stream.linear.scatter [tilespmem:s24], [sflag:$0x3], $0x4000, $0x38;
	[tilespmem:$0x1C180] =	vst v63  }
0x58: {  	s1 =	sshll.u32 s1, $0x7;
	s6 =	sadd.s32 s4, s6;
	s24 =	smul.u32 $0xAAAB, s29  }
0x59: {  	[tilespmem:s1], [sflag:$0x1] =	stream.linear.gather [hbm4b:s6+s3], $0x80, $0x38;
	[tilespmem:$0x1C180] =	vst v63  }
0x5a: {  	s30 =	sshrl.u32 s24, $0x11  }
0x5b: {  	_ =	swait.ge [sflag:s20], $0x80;
	s1 =	smul.u32 $0x3, s30  }
0x5c: {  	[sflag:s20] =	ssyncset.done $0x0  }
0x5d: {  	[sflag:s20] =	ssyncadd.s32 $0xFFFFFF80;
	s0 =	ssub.s32 s0, s1  }
0x5e: {  	_ =	swait.ge [sflag:s25], $0x4000;
	s0 =	sand.u32 $0xFFFF, s0  }
0x5f: {  	[sflag:s25] =	ssyncset.done $0x0;
	s31 =	sshll.u32 s0, $0xE  }
0x60: {  	s0 =	sshll.u32 s0, $0x7;
	s1 =	sor.u32 $0x180, s31;
	[sflag:s25] =	ssyncadd.s32 $0xFFFFC000  }
0x61: {  	[tilespmem:s1], [sflag:$0x2] =	stream.indirect.gather [spmem:s2], $0x80, s0, s18, $0xb8;
	[tilespmem:$0x1C180] =	vst v63  }
0x62: {  	_ =	swait.ge [sflag:s23], $0x4000  }
0x63: {  	[sflag:s23] =	ssyncset.done $0x0  }
0x64: {  	[sflag:s23] =	ssyncadd.s32 $0xFFFFC000  }
0x65: {  	[hbm4b:s10+s3] =	stream.linear.scatter [tilespmem:s21], [sflag:$0x3], $0x4000, $0x38;
	[tilespmem:$0x1C180] =	vst v63  }
0x66: {  	_ = 	snop  }
0x67: {  	[tilespmem:s3], [sflag:$0x1] =	stream.linear.gather [hbm4b:s11+s3], $0x80, $0x38;
	[tilespmem:$0x1C180] =	vst v63  }
0x68: {  	_ =	swait.ge [sflag:s23], $0x4000  }
0x69: {  	[sflag:s23] =	ssyncset.done $0x0  }
0x6a: {  	[sflag:s23] =	ssyncadd.s32 $0xFFFFC000  }
0x6b: {  	[hbm4b:s13+s3] =	stream.linear.scatter [tilespmem:s22], [sflag:$0x3], $0x4000, $0x38;
	[tilespmem:$0x1C180] =	vst v63  }
0x6c: {  	_ = 	snop  }
0x6d: {  	[tilespmem:s18], [sflag:$0x1] =	stream.linear.gather [hbm4b:s14+s3], $0x80, $0x38;
	[tilespmem:$0x1C180] =	vst v63  }
0x6e: {  	_ =	swait.ge [sflag:s25], $0x4000  }
0x6f: {  	[sflag:s25] =	ssyncset.done $0x0  }
0x70: {  	[sflag:s25] =	ssyncadd.s32 $0xFFFFC000  }
0x71: {  	_ =	swait.ge [sflag:s20], $0x80  }
0x72: {  	[sflag:s20] =	ssyncset.done $0x0  }
0x73: {  	[sflag:s20] =	ssyncadd.s32 $0xFFFFFF80  }
0x74: {  	_ =	swait.ge [sflag:s25], $0x4000  }
0x75: {  	[sflag:s25] =	ssyncset.done $0x0  }
0x76: {  	[sflag:s25] =	ssyncadd.s32 $0xFFFFC000  }
0x77: {  	_ =	swait.ge [sflag:s20], $0x80  }
0x78: {  	[sflag:s20] =	ssyncset.done $0x0  }
0x79: {  	s26 =	sadd.s32 $0x1, s26;
	[sflag:s20] =	ssyncadd.s32 $0xFFFFFF80  }
0x7a: {  	p1 =	sne.s32 s26, s15;
	_ =	swait.ge [sflag:s25], $0x4000  }
.Ltmp1:
0x7b: {  	[sflag:s25] =	ssyncset.done $0x0;
	(pc) =	sbr.rel @p1 .LBB2_1-.Ltmp1, $4  }
0x7c: {  	[sflag:s25] =	ssyncadd.s32 $0xFFFFC000  }
0x7d: {  	_ =	swait.ge [sflag:s20], $0x80  }
0x7e: {  	[sflag:s20] =	ssyncset.done $0x0  }
0x7f: {  	[sflag:s20] =	ssyncadd.s32 $0xFFFFFF80  }
0x80: {  	_ =	sfence.sel $0x180000  }
0x81: {  	[bflag:$0x0] =	sbarrier.arrive $0xFFFF  }
0x82: {  	_ =	strace $0x90000047  }
0x83: {  	[bflag:$0x2] =	sbarrier.arrive $0xFFFF  }
0x84: {  	s0 =	rddreg [dreg:$0x4]  }
0x85: {  	s0 =	sadd.s32 @!p0 $0x100000, s0  }
0x86: {  	[sflag:s0] =	ssyncadd.tile.s32 @!p0 $0x1;
	_ =	shalt  }
.Lfunc_end2:
_tile_overlayer_lowered:
.L_overlay_start_2:
0x87: {  	(tag) =	ssettag $0x2  }
0x88: {  	s0 =	rddreg [dreg:$0x0];
	s2 =	stileid.u32  }
0x89: {  	s1 =	rddreg [dreg:$0x1];
	p0 =	sne.s32 s2, $0x0  }
0x8a: {  	s3 =	rddreg [dreg:$0x2];
	[bflag:$0x3] =	sbarrier.arrive $0xFFFF;
	s2 =	simm.s32 @!p0 $0x1C04  }
0x8b: {  	[timem:s3], [sflag:s2] =	dma.local @!p0 [hbm:s0], s1  }
0x8c: {  	s0 =	simm.s32 @!p0 $0x4  }
0x8d: {  	_ =	swait.ge @!p0 [sflag:s0], s1  }
0x8e: {  	s1 =	ssub.s32 @!p0 $0x0, s1;
	[sflag:s0] =	ssyncset.done @!p0 $0x0  }
0x8f: {  	[sflag:s0] =	ssyncadd.s32 @!p0 s1  }
0x90: {  	[bflag:$0x3] =	sbarrier.arrive $0xFFFF  }
0x91: {  	_ =	shalt  }

</sc_bundles>
